<compile_context>
chip_gen: v7x
topology: tpu7x:2x2x1
jax: 0.10.2.dev20260603
libtpu: 0.0.44.dev20260713+nightly
codegen_flags: <defaults>
</compile_context>

<pallas_src>
import functools
import jax
import jax.numpy as jnp
from jax import lax
from jax.experimental import pallas as pl
from jax.experimental.pallas import tpu as pltpu
from jax.experimental.pallas import tpu_sc as plsc

EPS = 1e-6
HW = 128
OUT = HW * HW
L = 16
NC, NS = 2, 16
WPB = 8
NROW = 32


def _tc_weights_body(idx_ref, mt_ref, st_ref, v_ref, w_ref, o_ref, g_ref):
    idx = idx_ref[0]
    pts = idx.astype(jnp.float32)
    rank = pts.shape[1]
    acc = None
    for r in range(rank):
        p = pts[:, r:r + 1]
        m = mt_ref[0, r:r + 1, :]
        sg = st_ref[0, r:r + 1, :]
        d = p - m
        t = d * d * (1.0 / (EPS + sg))
        acc = t if acc is None else acc + t
    props = jnp.exp(-0.5 * acc)
    denom = jnp.sum(props, axis=0, keepdims=True) + EPS
    vp = v_ref[0] / denom
    wcol = jnp.sum(props * vp, axis=1, keepdims=True)
    w_ref[0] = wcol.reshape(NROW, HW)
    ocol = idx[:, 0:1] * HW + idx[:, 1:2]
    gcol = idx[:, 2:3] * HW + idx[:, 3:4]
    o_ref[0] = ocol.reshape(NROW, HW)
    g_ref[0] = gcol.reshape(NROW, HW)


def _tc_weights(indices, means_t, sig_t, vals3):
    b, n, rank = indices.shape
    k = means_t.shape[2]
    return pl.pallas_call(
        _tc_weights_body,
        grid=(b,),
        in_specs=[
            pl.BlockSpec((1, n, rank), lambda i: (i, 0, 0)),
            pl.BlockSpec((1, rank, k), lambda i: (i, 0, 0)),
            pl.BlockSpec((1, rank, k), lambda i: (i, 0, 0)),
            pl.BlockSpec((1, 1, k), lambda i: (i, 0, 0)),
        ],
        out_specs=[
            pl.BlockSpec((1, NROW, HW), lambda i: (i, 0, 0)),
            pl.BlockSpec((1, NROW, HW), lambda i: (i, 0, 0)),
            pl.BlockSpec((1, NROW, HW), lambda i: (i, 0, 0)),
        ],
        out_shape=[
            jax.ShapeDtypeStruct((b, NROW, HW), jnp.float32),
            jax.ShapeDtypeStruct((b, NROW, HW), jnp.int32),
            jax.ShapeDtypeStruct((b, NROW, HW), jnp.int32),
        ],
    )(indices, means_t, sig_t, vals3)


def _sc_scatter(xflat, w3, o3, g3, rowidx):
    b = xflat.shape[0]
    rpw4 = NROW // WPB
    rows = OUT // L
    rpw = rows // WPB
    bpc = b // NC
    mesh = plsc.VectorSubcoreMesh(core_axis_name="c", subcore_axis_name="s")

    @functools.partial(
        pl.kernel,
        out_type=jax.ShapeDtypeStruct((b, rows, L), jnp.float32),
        mesh=mesh,
        compiler_params=pltpu.CompilerParams(
            needs_layout_passes=False, use_tc_tiling_on_sc=False),
        scratch_types=[
            pltpu.VMEM((OUT,), jnp.float32),
            pltpu.VMEM((rows, L), jnp.float32),
            pltpu.VMEM((rpw4, HW), jnp.float32),
            pltpu.VMEM((rpw4, HW), jnp.int32),
            pltpu.VMEM((rpw4, HW), jnp.int32),
            pltpu.VMEM((WPB, HW), jnp.int32),
            pltpu.VMEM_SHARED((bpc * rows, L), jnp.float32),
            pltpu.SemaphoreType.DMA,
        ],
    )
    def sc_kernel(xf, w_all, o_all, g_all, ridx, out,
                  x_v, y_v, w_v, o_v, g_v, rowi_v, shared, sem):
        c = lax.axis_index("c")
        s = lax.axis_index("s")
        b_local = s // WPB
        bat = c * bpc + b_local
        chunk = s % WPB
        rbase4 = chunk * rpw4

        cp_x = pltpu.async_copy(xf.at[bat], x_v, sem)
        cp_w = pltpu.async_copy(
            w_all.at[bat, pl.ds(rbase4, rpw4), :], w_v, sem)
        cp_o = pltpu.async_copy(
            o_all.at[bat, pl.ds(rbase4, rpw4), :], o_v, sem)
        cp_g = pltpu.async_copy(
            g_all.at[bat, pl.ds(rbase4, rpw4), :], g_v, sem)
        cp_r = pltpu.async_copy(ridx.at[b_local], rowi_v, sem)

        zero = jnp.zeros((L,), jnp.float32)

        def zr(i, _):
            base = i * 8
            for u in range(8):
                y_v[base + u, :] = zero
            return 0
        lax.fori_loop(0, rows // 8, zr, 0)

        cp_x.wait()
        cp_w.wait()
        cp_o.wait()
        cp_g.wait()
        cp_r.wait()

        for r in range(rpw4):
            for l in range(HW // L):
                sl = pl.ds(l * L, L)
                o = o_v[r, sl]
                gi = g_v[r, sl]
                gx = plsc.load_gather(x_v, [gi])
                val = gx * w_v[r, sl]
                plsc.addupdate_scatter(y_v, [o >> 4, o & 15], val)

        @pl.when(chunk == 0)
        def _():
            pltpu.sync_copy(y_v, shared.at[pl.ds(b_local * rows, rows)])
        plsc.subcore_barrier()

        @pl.when(chunk > 0)
        def _():
            for j in range(WPB):
                pltpu.sync_copy(y_v.at[pl.ds(j * HW, HW)],
                                shared.at[rowi_v.at[j]], add=True)
        plsc.subcore_barrier()

        rbase = chunk * rpw
        pltpu.sync_copy(shared.at[pl.ds(b_local * rows + rbase, rpw)],
                        out.at[bat, pl.ds(rbase, rpw)])

    return sc_kernel(xflat, w3, o3, g3, rowidx)


def kernel(x, means, sigmas, values, indices):
    b, h, w = x.shape
    k = means.shape[1]
    xflat = x.reshape(b, h * w)
    means_t = means.transpose(0, 2, 1)
    sig_t = sigmas.transpose(0, 2, 1)
    vals3 = values.reshape(b, 1, k)

    w3, o3, g3 = _tc_weights(indices, means_t, sig_t, vals3)

    rows = (h * w) // L
    bpc = b // NC
    rowidx = (jnp.arange(bpc, dtype=jnp.int32)[:, None, None] * rows
              + jnp.arange(rows, dtype=jnp.int32).reshape(WPB, HW)[None])
    y = _sc_scatter(xflat, w3, o3, g3, rowidx)
    return y.reshape(b, h, w)

# --- scband reference (transcript-rebuilt; emitter-appended) ---
"""Pipeline reference for scband-hyper-layer-31868657336333 (READ-ONLY COPY).

The authoritative reference and input builder live on the scoring server;
editing this copy changes nothing except your own understanding.
"""

import jax, jax.numpy as jnp
import numpy as np

EPSILON = 1e-06
B, N, K, RANK = 4, 4096, 256, 4
H_IN = W_IN = 128
H_OUT = W_OUT = 128


def setup_inputs(seed: int = 0) -> dict:
    key = jax.random.key(seed)
    k1, k2, k3, k4, k5 = jax.random.split(key, 5)
    x = jax.random.normal(k1, (B, H_IN, W_IN), dtype=jnp.float32)
    # continuous index tuples (means) live in the index space [0, dim-1]
    means = jax.random.uniform(k2, (B, K, RANK), dtype=jnp.float32) * 127.0
    sigmas = jax.random.uniform(k3, (B, K, RANK), dtype=jnp.float32) * 4.0 + 0.5
    values = jax.random.normal(k4, (B, K), dtype=jnp.float32)
    indices = jax.random.randint(k5, (B, N, RANK), 0, 128, dtype=jnp.int32)
    return {"x": x, "means": means, "sigmas": sigmas, "values": values, "indices": indices}


def densities(points, means, sigmas):
    # points: (B, n, rank); means/sigmas: (B, k, rank)
    # faithful to the torch reference: diff scaled by sqrt(1/(eps+sigma)), then
    # squared-norm via the bmm(points, points^T) trick == sum of squares over rank
    p = points[:, :, None, :]
    m = means[:, None, :, :]
    s = sigmas[:, None, :, :]
    sig_sq = jnp.sqrt(1.0 / (EPSILON + s))
    d = (p - m) * sig_sq
    products = jnp.sum(d * d, axis=-1)  # (B, n, k)
    return jnp.exp(-0.5 * products)


def reference(x, means, sigmas, values, indices):
    # HyperLayer core forward: evaluate unnormalized MVN densities of the sampled
    # integer index tuples under the k continuous index tuples produced by the
    # hypernetwork, normalize over the sampled points, weight by the k values,
    # then materialize the implied sparse weight tensor as gather(x) -> scatter-add(y).
    pts = indices.astype(jnp.float32)
    props = densities(pts, means, sigmas)  # (B, n, k)
    props = props / (jnp.sum(props, axis=1, keepdims=True) + EPSILON)
    w = jnp.sum(props * values[:, None, :], axis=2)  # (B, n) weight per integer tuple
    out_idx = indices[:, :, 0] * W_OUT + indices[:, :, 1]  # (B, n)
    in_idx = indices[:, :, 2] * W_IN + indices[:, :, 3]    # (B, n)
    xflat = x.reshape(B, H_IN * W_IN)
    gathered = jnp.take_along_axis(xflat, in_idx, axis=1) * w
    y = jnp.zeros((B, H_OUT * W_OUT), dtype=x.dtype)
    y = y.at[jnp.arange(B)[:, None], out_idx].add(gathered)
    return y.reshape(B, H_OUT, W_OUT)

if __name__ == "__main__":
    import jax
    _d = setup_inputs()
    print(jax.jit(kernel)(*tuple(_d.values())))

</pallas_src>

<mosaic_0001>
#map = affine_map<(d0, d1) -> (0, 0)>
#map1 = affine_map<(d0, d1) -> (0, 0, 0)>
module attributes {stable_mosaic.version = 14 : i64} {
  func.func @sc_kernel(%arg0: i32, %arg1: i32, %arg2: memref<4x16384xf32, #tpu.memory_space<hbm>>, %arg3: memref<4x32x128xf32, #tpu.memory_space<hbm>>, %arg4: memref<4x32x128xi32, #tpu.memory_space<hbm>>, %arg5: memref<4x32x128xi32, #tpu.memory_space<hbm>>, %arg6: memref<2x8x128xi32, #tpu.memory_space<hbm>>, %arg7: memref<4x1024x16xf32, #tpu.memory_space<hbm>>, %arg8: memref<16384xf32, #tpu.memory_space<vmem>>, %arg9: memref<1024x16xf32, #tpu.memory_space<vmem>>, %arg10: memref<4x128xf32, #tpu.memory_space<vmem>>, %arg11: memref<4x128xi32, #tpu.memory_space<vmem>>, %arg12: memref<4x128xi32, #tpu.memory_space<vmem>>, %arg13: memref<8x128xi32, #tpu.memory_space<vmem>>, %arg14: memref<2048x16xf32, #tpu.memory_space<vmem_shared>>, %arg15: memref<!tpu.dma_semaphore, #tpu.memory_space<semaphore_mem>>) attributes {dimension_semantics = [#tpu.dimension_semantics<core_parallel>, #tpu.dimension_semantics<subcore_parallel>], iteration_bounds = array<i64: 2, 16>, scalar_prefetch = 0 : i64, scratch_operands = 8 : i64, tpu.core_type = #tpu.core_type<sc_vector_subcore>, window_params = [{transform_indices = #map}, {transform_indices = #map1}, {transform_indices = #map1}, {transform_indices = #map1}, {transform_indices = #map1}, {transform_indices = #map1}]} {
    %jit3A = arith.constant 8 : i32
    %div3A = arith.divsi %arg1, %jit3A : i32
    %sign3A = arith.constant 0 : i32
    %sign3A_0 = arith.cmpi sgt, %arg1, %sign3A : i32
    %sign3A_1 = arith.extui %sign3A_0 : i1 to i32
    %sign3A_2 = arith.constant 0 : i32
    %sign3A_3 = arith.cmpi slt, %arg1, %sign3A_2 : i32
    %sign3A_4 = arith.extui %sign3A_3 : i1 to i32
    %sign3A_5 = arith.subi %sign3A_1, %sign3A_4 : i32
    %sign3A_6 = arith.constant 0 : i32
    %sign3A_7 = arith.cmpi sgt, %jit3A, %sign3A_6 : i32
    %sign3A_8 = arith.extui %sign3A_7 : i1 to i32
    %sign3A_9 = arith.constant 0 : i32
    %sign3A_10 = arith.cmpi slt, %jit3A, %sign3A_9 : i32
    %sign3A_11 = arith.extui %sign3A_10 : i1 to i32
    %sign3A_12 = arith.subi %sign3A_8, %sign3A_11 : i32
    %ne3A = arith.cmpi ne, %sign3A_5, %sign3A_12 : i32
    %rem3A = arith.remsi %arg1, %jit3A : i32
    %ne3A_13 = arith.constant 0 : i32
    %ne3A_14 = arith.cmpi ne, %rem3A, %ne3A_13 : i32
    %and3A = arith.andi %ne3A, %ne3A_14 : i1
    %sub3A = arith.constant 1 : i32
    %sub3A_15 = arith.subi %div3A, %sub3A : i32
    %select_n3A = arith.select %and3A, %sub3A_15, %div3A : i32
    %mul3A = arith.constant 2 : i32
    %mul3A_16 = arith.muli %arg0, %mul3A : i32
    %add3A = arith.addi %mul3A_16, %select_n3A : i32
    %jit3A_17 = arith.constant 8 : i32
    %eq3A = arith.constant 0 : i32
    %eq3A_18 = arith.cmpi eq, %jit3A_17, %eq3A : i32
    %jit3A_19 = arith.constant 1 : i32
    %select_n3A_20 = arith.select %eq3A_18, %jit3A_19, %jit3A_17 : i32
    %rem3A_21 = arith.remsi %arg1, %select_n3A_20 : i32
    %ne3A_22 = arith.constant 0 : i32
    %ne3A_23 = arith.cmpi ne, %rem3A_21, %ne3A_22 : i32
    %lt3A = arith.constant 0 : i32
    %lt3A_24 = arith.cmpi slt, %rem3A_21, %lt3A : i32
    %lt3A_25 = arith.constant 0 : i32
    %lt3A_26 = arith.cmpi slt, %select_n3A_20, %lt3A_25 : i32
    %ne3A_27 = arith.xori %lt3A_24, %lt3A_26 : i1
    %and3A_28 = arith.andi %ne3A_27, %ne3A_23 : i1
    %add3A_29 = arith.addi %rem3A_21, %select_n3A_20 : i32
    %select_n3A_30 = arith.select %and3A_28, %add3A_29, %rem3A_21 : i32
    %mul3A_31 = arith.constant 4 : i32
    %mul3A_32 = arith.muli %select_n3A_30, %mul3A_31 : i32
    %dma_start3A = arith.constant 0 : i32
    %dma_start3A_33 = tpu.memref_slice %arg2[%add3A, %dma_start3A] : memref<4x16384xf32, #tpu.memory_space<hbm>> -> memref<1x16384xf32, #tpu.memory_space<hbm>>
    %dma_start3A_34 = tpu.memref_squeeze %dma_start3A_33 : memref<1x16384xf32, #tpu.memory_space<hbm>> -> memref<16384xf32, #tpu.memory_space<hbm>>
    %dma_start3A_35 = arith.constant 0 : i32
    %dma_start3A_36 = tpu.memref_slice %arg2[%add3A, %dma_start3A_35] : memref<4x16384xf32, #tpu.memory_space<hbm>> -> memref<1x16384xf32, #tpu.memory_space<hbm>>
    %dma_start3A_37 = tpu.memref_squeeze %dma_start3A_36 : memref<1x16384xf32, #tpu.memory_space<hbm>> -> memref<16384xf32, #tpu.memory_space<hbm>>
    tpu.enqueue_dma source(%dma_start3A_37 : memref<16384xf32, #tpu.memory_space<hbm>>) target(%arg8 : memref<16384xf32, #tpu.memory_space<vmem>>) target_semaphore(%arg15 : memref<!tpu.dma_semaphore, #tpu.memory_space<semaphore_mem>>)
    %dma_start3A_38 = arith.constant 0 : i32
    %dma_start3A_39 = tpu.memref_slice %arg3[%add3A, %mul3A_32, %dma_start3A_38] : memref<4x32x128xf32, #tpu.memory_space<hbm>> -> memref<1x4x128xf32, #tpu.memory_space<hbm>>
    %dma_start3A_40 = tpu.memref_squeeze %dma_start3A_39 : memref<1x4x128xf32, #tpu.memory_space<hbm>> -> memref<4x128xf32, #tpu.memory_space<hbm>>
    %dma_start3A_41 = arith.constant 0 : i32
    %dma_start3A_42 = tpu.memref_slice %arg3[%add3A, %mul3A_32, %dma_start3A_41] : memref<4x32x128xf32, #tpu.memory_space<hbm>> -> memref<1x4x128xf32, #tpu.memory_space<hbm>>
    %dma_start3A_43 = tpu.memref_squeeze %dma_start3A_42 : memref<1x4x128xf32, #tpu.memory_space<hbm>> -> memref<4x128xf32, #tpu.memory_space<hbm>>
    tpu.enqueue_dma source(%dma_start3A_43 : memref<4x128xf32, #tpu.memory_space<hbm>>) target(%arg10 : memref<4x128xf32, #tpu.memory_space<vmem>>) target_semaphore(%arg15 : memref<!tpu.dma_semaphore, #tpu.memory_space<semaphore_mem>>)
    %dma_start3A_44 = arith.constant 0 : i32
    %dma_start3A_45 = tpu.memref_slice %arg4[%add3A, %mul3A_32, %dma_start3A_44] : memref<4x32x128xi32, #tpu.memory_space<hbm>> -> memref<1x4x128xi32, #tpu.memory_space<hbm>>
    %dma_start3A_46 = tpu.memref_squeeze %dma_start3A_45 : memref<1x4x128xi32, #tpu.memory_space<hbm>> -> memref<4x128xi32, #tpu.memory_space<hbm>>
    %dma_start3A_47 = arith.constant 0 : i32
    %dma_start3A_48 = tpu.memref_slice %arg4[%add3A, %mul3A_32, %dma_start3A_47] : memref<4x32x128xi32, #tpu.memory_space<hbm>> -> memref<1x4x128xi32, #tpu.memory_space<hbm>>
    %dma_start3A_49 = tpu.memref_squeeze %dma_start3A_48 : memref<1x4x128xi32, #tpu.memory_space<hbm>> -> memref<4x128xi32, #tpu.memory_space<hbm>>
    tpu.enqueue_dma source(%dma_start3A_49 : memref<4x128xi32, #tpu.memory_space<hbm>>) target(%arg11 : memref<4x128xi32, #tpu.memory_space<vmem>>) target_semaphore(%arg15 : memref<!tpu.dma_semaphore, #tpu.memory_space<semaphore_mem>>)
    %dma_start3A_50 = arith.constant 0 : i32
    %dma_start3A_51 = tpu.memref_slice %arg5[%add3A, %mul3A_32, %dma_start3A_50] : memref<4x32x128xi32, #tpu.memory_space<hbm>> -> memref<1x4x128xi32, #tpu.memory_space<hbm>>
    %dma_start3A_52 = tpu.memref_squeeze %dma_start3A_51 : memref<1x4x128xi32, #tpu.memory_space<hbm>> -> memref<4x128xi32, #tpu.memory_space<hbm>>
    %dma_start3A_53 = arith.constant 0 : i32
    %dma_start3A_54 = tpu.memref_slice %arg5[%add3A, %mul3A_32, %dma_start3A_53] : memref<4x32x128xi32, #tpu.memory_space<hbm>> -> memref<1x4x128xi32, #tpu.memory_space<hbm>>
    %dma_start3A_55 = tpu.memref_squeeze %dma_start3A_54 : memref<1x4x128xi32, #tpu.memory_space<hbm>> -> memref<4x128xi32, #tpu.memory_space<hbm>>
    tpu.enqueue_dma source(%dma_start3A_55 : memref<4x128xi32, #tpu.memory_space<hbm>>) target(%arg12 : memref<4x128xi32, #tpu.memory_space<vmem>>) target_semaphore(%arg15 : memref<!tpu.dma_semaphore, #tpu.memory_space<semaphore_mem>>)
    %dma_start3A_56 = arith.constant 0 : i32
    %dma_start3A_57 = arith.constant 0 : i32
    %dma_start3A_58 = tpu.memref_slice %arg6[%select_n3A, %dma_start3A_56, %dma_start3A_57] : memref<2x8x128xi32, #tpu.memory_space<hbm>> -> memref<1x8x128xi32, #tpu.memory_space<hbm>>
    %dma_start3A_59 = tpu.memref_squeeze %dma_start3A_58 : memref<1x8x128xi32, #tpu.memory_space<hbm>> -> memref<8x128xi32, #tpu.memory_space<hbm>>
    %dma_start3A_60 = arith.constant 0 : i32
    %dma_start3A_61 = arith.constant 0 : i32
    %dma_start3A_62 = tpu.memref_slice %arg6[%select_n3A, %dma_start3A_60, %dma_start3A_61] : memref<2x8x128xi32, #tpu.memory_space<hbm>> -> memref<1x8x128xi32, #tpu.memory_space<hbm>>
    %dma_start3A_63 = tpu.memref_squeeze %dma_start3A_62 : memref<1x8x128xi32, #tpu.memory_space<hbm>> -> memref<8x128xi32, #tpu.memory_space<hbm>>
    tpu.enqueue_dma source(%dma_start3A_63 : memref<8x128xi32, #tpu.memory_space<hbm>>) target(%arg13 : memref<8x128xi32, #tpu.memory_space<vmem>>) target_semaphore(%arg15 : memref<!tpu.dma_semaphore, #tpu.memory_space<semaphore_mem>>)
    %broadcast_in_dim3A = arith.constant 0.000000e+00 : f32
    %broadcast_in_dim3A_64 = vector.broadcast %broadcast_in_dim3A : f32 to vector<16xf32>
    %scan3A = arith.constant 0 : i32
    %scan3A_65 = arith.constant 0 : i32
    %scan3A_66 = arith.constant 128 : i32
    %scan3A_67 = arith.addi %scan3A_65, %scan3A_66 : i32
    %scan3A_68 = arith.constant 1 : i32
    %scan3A_69 = scf.for %scan3A_752 = %scan3A_65 to %scan3A_67 step %scan3A_68 iter_args(%scan3A_753 = %scan3A) -> (i32)  : i32 {
      %mul3A_754 = arith.constant 8 : i32
      %mul3A_755 = arith.muli %scan3A_752, %mul3A_754 : i32
      %add3A_756 = arith.constant 0 : i32
      %add3A_757 = arith.addi %mul3A_755, %add3A_756 : i32
      %swap3A = arith.index_cast %add3A_757 : i32 to index
      %swap3A_758 = arith.constant 0 : index
      %swap3A_759 = tpu.vector_load %arg9[%swap3A, %swap3A_758] {strides = array<i32>} : memref<1024x16xf32, #tpu.memory_space<vmem>>, vector<16xf32>,
      tpu.vector_store %arg9[%swap3A, %swap3A_758], %broadcast_in_dim3A_64 {strides = array<i32>} : memref<1024x16xf32, #tpu.memory_space<vmem>>, vector<16xf32>,
      %add3A_760 = arith.constant 1 : i32
      %add3A_761 = arith.addi %mul3A_755, %add3A_760 : i32
      %swap3A_762 = arith.index_cast %add3A_761 : i32 to index
      %swap3A_763 = arith.constant 0 : index
      %swap3A_764 = tpu.vector_load %arg9[%swap3A_762, %swap3A_763] {strides = array<i32>} : memref<1024x16xf32, #tpu.memory_space<vmem>>, vector<16xf32>,
      tpu.vector_store %arg9[%swap3A_762, %swap3A_763], %broadcast_in_dim3A_64 {strides = array<i32>} : memref<1024x16xf32, #tpu.memory_space<vmem>>, vector<16xf32>,
      %add3A_765 = arith.constant 2 : i32
      %add3A_766 = arith.addi %mul3A_755, %add3A_765 : i32
      %swap3A_767 = arith.index_cast %add3A_766 : i32 to index
      %swap3A_768 = arith.constant 0 : index
      %swap3A_769 = tpu.vector_load %arg9[%swap3A_767, %swap3A_768] {strides = array<i32>} : memref<1024x16xf32, #tpu.memory_space<vmem>>, vector<16xf32>,
      tpu.vector_store %arg9[%swap3A_767, %swap3A_768], %broadcast_in_dim3A_64 {strides = array<i32>} : memref<1024x16xf32, #tpu.memory_space<vmem>>, vector<16xf32>,
      %add3A_770 = arith.constant 3 : i32
      %add3A_771 = arith.addi %mul3A_755, %add3A_770 : i32
      %swap3A_772 = arith.index_cast %add3A_771 : i32 to index
      %swap3A_773 = arith.constant 0 : index
      %swap3A_774 = tpu.vector_load %arg9[%swap3A_772, %swap3A_773] {strides = array<i32>} : memref<1024x16xf32, #tpu.memory_space<vmem>>, vector<16xf32>,
      tpu.vector_store %arg9[%swap3A_772, %swap3A_773], %broadcast_in_dim3A_64 {strides = array<i32>} : memref<1024x16xf32, #tpu.memory_space<vmem>>, vector<16xf32>,
      %add3A_775 = arith.constant 4 : i32
      %add3A_776 = arith.addi %mul3A_755, %add3A_775 : i32
      %swap3A_777 = arith.index_cast %add3A_776 : i32 to index
      %swap3A_778 = arith.constant 0 : index
      %swap3A_779 = tpu.vector_load %arg9[%swap3A_777, %swap3A_778] {strides = array<i32>} : memref<1024x16xf32, #tpu.memory_space<vmem>>, vector<16xf32>,
      tpu.vector_store %arg9[%swap3A_777, %swap3A_778], %broadcast_in_dim3A_64 {strides = array<i32>} : memref<1024x16xf32, #tpu.memory_space<vmem>>, vector<16xf32>,
      %add3A_780 = arith.constant 5 : i32
      %add3A_781 = arith.addi %mul3A_755, %add3A_780 : i32
      %swap3A_782 = arith.index_cast %add3A_781 : i32 to index
      %swap3A_783 = arith.constant 0 : index
      %swap3A_784 = tpu.vector_load %arg9[%swap3A_782, %swap3A_783] {strides = array<i32>} : memref<1024x16xf32, #tpu.memory_space<vmem>>, vector<16xf32>,
      tpu.vector_store %arg9[%swap3A_782, %swap3A_783], %broadcast_in_dim3A_64 {strides = array<i32>} : memref<1024x16xf32, #tpu.memory_space<vmem>>, vector<16xf32>,
      %add3A_785 = arith.constant 6 : i32
      %add3A_786 = arith.addi %mul3A_755, %add3A_785 : i32
      %swap3A_787 = arith.index_cast %add3A_786 : i32 to index
      %swap3A_788 = arith.constant 0 : index
      %swap3A_789 = tpu.vector_load %arg9[%swap3A_787, %swap3A_788] {strides = array<i32>} : memref<1024x16xf32, #tpu.memory_space<vmem>>, vector<16xf32>,
      tpu.vector_store %arg9[%swap3A_787, %swap3A_788], %broadcast_in_dim3A_64 {strides = array<i32>} : memref<1024x16xf32, #tpu.memory_space<vmem>>, vector<16xf32>,
      %add3A_790 = arith.constant 7 : i32
      %add3A_791 = arith.addi %mul3A_755, %add3A_790 : i32
      %swap3A_792 = arith.index_cast %add3A_791 : i32 to index
      %swap3A_793 = arith.constant 0 : index
      %swap3A_794 = tpu.vector_load %arg9[%swap3A_792, %swap3A_793] {strides = array<i32>} : memref<1024x16xf32, #tpu.memory_space<vmem>>, vector<16xf32>,
      tpu.vector_store %arg9[%swap3A_792, %swap3A_793], %broadcast_in_dim3A_64 {strides = array<i32>} : memref<1024x16xf32, #tpu.memory_space<vmem>>, vector<16xf32>,
      %scan3A_795 = arith.constant 0 : i32
      scf.yield %scan3A_795 : i32
    }
    %scan3A_70 = arith.constant 128 : i32
    %dma_wait3A = arith.constant 0 : i32
    %dma_wait3A_71 = tpu.memref_slice %arg2[%add3A, %dma_wait3A] : memref<4x16384xf32, #tpu.memory_space<hbm>> -> memref<1x16384xf32, #tpu.memory_space<hbm>>
    %dma_wait3A_72 = tpu.memref_squeeze %dma_wait3A_71 : memref<1x16384xf32, #tpu.memory_space<hbm>> -> memref<16384xf32, #tpu.memory_space<hbm>>
    %dma_wait3A_73 = arith.constant 0 : i32
    %dma_wait3A_74 = tpu.memref_slice %arg2[%add3A, %dma_wait3A_73] : memref<4x16384xf32, #tpu.memory_space<hbm>> -> memref<1x16384xf32, #tpu.memory_space<hbm>>
    %dma_wait3A_75 = tpu.memref_squeeze %dma_wait3A_74 : memref<1x16384xf32, #tpu.memory_space<hbm>> -> memref<16384xf32, #tpu.memory_space<hbm>>
    tpu.wait_dma2 semaphore(%arg15 : memref<!tpu.dma_semaphore, #tpu.memory_space<semaphore_mem>>) src(%dma_wait3A_75 : memref<16384xf32, #tpu.memory_space<hbm>>) dst(%arg8 : memref<16384xf32, #tpu.memory_space<vmem>>)
    %dma_wait3A_76 = arith.constant 0 : i32
    %dma_wait3A_77 = tpu.memref_slice %arg3[%add3A, %mul3A_32, %dma_wait3A_76] : memref<4x32x128xf32, #tpu.memory_space<hbm>> -> memref<1x4x128xf32, #tpu.memory_space<hbm>>
    %dma_wait3A_78 = tpu.memref_squeeze %dma_wait3A_77 : memref<1x4x128xf32, #tpu.memory_space<hbm>> -> memref<4x128xf32, #tpu.memory_space<hbm>>
    %dma_wait3A_79 = arith.constant 0 : i32
    %dma_wait3A_80 = tpu.memref_slice %arg3[%add3A, %mul3A_32, %dma_wait3A_79] : memref<4x32x128xf32, #tpu.memory_space<hbm>> -> memref<1x4x128xf32, #tpu.memory_space<hbm>>
    %dma_wait3A_81 = tpu.memref_squeeze %dma_wait3A_80 : memref<1x4x128xf32, #tpu.memory_space<hbm>> -> memref<4x128xf32, #tpu.memory_space<hbm>>
    tpu.wait_dma2 semaphore(%arg15 : memref<!tpu.dma_semaphore, #tpu.memory_space<semaphore_mem>>) src(%dma_wait3A_81 : memref<4x128xf32, #tpu.memory_space<hbm>>) dst(%arg10 : memref<4x128xf32, #tpu.memory_space<vmem>>)
    %dma_wait3A_82 = arith.constant 0 : i32
    %dma_wait3A_83 = tpu.memref_slice %arg4[%add3A, %mul3A_32, %dma_wait3A_82] : memref<4x32x128xi32, #tpu.memory_space<hbm>> -> memref<1x4x128xi32, #tpu.memory_space<hbm>>
    %dma_wait3A_84 = tpu.memref_squeeze %dma_wait3A_83 : memref<1x4x128xi32, #tpu.memory_space<hbm>> -> memref<4x128xi32, #tpu.memory_space<hbm>>
    %dma_wait3A_85 = arith.constant 0 : i32
    %dma_wait3A_86 = tpu.memref_slice %arg4[%add3A, %mul3A_32, %dma_wait3A_85] : memref<4x32x128xi32, #tpu.memory_space<hbm>> -> memref<1x4x128xi32, #tpu.memory_space<hbm>>
    %dma_wait3A_87 = tpu.memref_squeeze %dma_wait3A_86 : memref<1x4x128xi32, #tpu.memory_space<hbm>> -> memref<4x128xi32, #tpu.memory_space<hbm>>
    tpu.wait_dma2 semaphore(%arg15 : memref<!tpu.dma_semaphore, #tpu.memory_space<semaphore_mem>>) src(%dma_wait3A_87 : memref<4x128xi32, #tpu.memory_space<hbm>>) dst(%arg11 : memref<4x128xi32, #tpu.memory_space<vmem>>)
    %dma_wait3A_88 = arith.constant 0 : i32
    %dma_wait3A_89 = tpu.memref_slice %arg5[%add3A, %mul3A_32, %dma_wait3A_88] : memref<4x32x128xi32, #tpu.memory_space<hbm>> -> memref<1x4x128xi32, #tpu.memory_space<hbm>>
    %dma_wait3A_90 = tpu.memref_squeeze %dma_wait3A_89 : memref<1x4x128xi32, #tpu.memory_space<hbm>> -> memref<4x128xi32, #tpu.memory_space<hbm>>
    %dma_wait3A_91 = arith.constant 0 : i32
    %dma_wait3A_92 = tpu.memref_slice %arg5[%add3A, %mul3A_32, %dma_wait3A_91] : memref<4x32x128xi32, #tpu.memory_space<hbm>> -> memref<1x4x128xi32, #tpu.memory_space<hbm>>
    %dma_wait3A_93 = tpu.memref_squeeze %dma_wait3A_92 : memref<1x4x128xi32, #tpu.memory_space<hbm>> -> memref<4x128xi32, #tpu.memory_space<hbm>>
    tpu.wait_dma2 semaphore(%arg15 : memref<!tpu.dma_semaphore, #tpu.memory_space<semaphore_mem>>) src(%dma_wait3A_93 : memref<4x128xi32, #tpu.memory_space<hbm>>) dst(%arg12 : memref<4x128xi32, #tpu.memory_space<vmem>>)
    %dma_wait3A_94 = arith.constant 0 : i32
    %dma_wait3A_95 = arith.constant 0 : i32
    %dma_wait3A_96 = tpu.memref_slice %arg6[%select_n3A, %dma_wait3A_94, %dma_wait3A_95] : memref<2x8x128xi32, #tpu.memory_space<hbm>> -> memref<1x8x128xi32, #tpu.memory_space<hbm>>
    %dma_wait3A_97 = tpu.memref_squeeze %dma_wait3A_96 : memref<1x8x128xi32, #tpu.memory_space<hbm>> -> memref<8x128xi32, #tpu.memory_space<hbm>>
    %dma_wait3A_98 = arith.constant 0 : i32
    %dma_wait3A_99 = arith.constant 0 : i32
    %dma_wait3A_100 = tpu.memref_slice %arg6[%select_n3A, %dma_wait3A_98, %dma_wait3A_99] : memref<2x8x128xi32, #tpu.memory_space<hbm>> -> memref<1x8x128xi32, #tpu.memory_space<hbm>>
    %dma_wait3A_101 = tpu.memref_squeeze %dma_wait3A_100 : memref<1x8x128xi32, #tpu.memory_space<hbm>> -> memref<8x128xi32, #tpu.memory_space<hbm>>
    tpu.wait_dma2 semaphore(%arg15 : memref<!tpu.dma_semaphore, #tpu.memory_space<semaphore_mem>>) src(%dma_wait3A_101 : memref<8x128xi32, #tpu.memory_space<hbm>>) dst(%arg13 : memref<8x128xi32, #tpu.memory_space<vmem>>)
    %get3A = arith.constant 0 : i32
    %get3A_102 = arith.index_cast %get3A : i32 to index
    %get3A_103 = arith.constant 0 : index
    %get3A_104 = tpu.vector_load %arg11[%get3A_102, %get3A_103] {strides = array<i32>} : memref<4x128xi32, #tpu.memory_space<vmem>>, vector<16xi32>,
    %get3A_105 = arith.constant 0 : i32
    %get3A_106 = arith.index_cast %get3A_105 : i32 to index
    %get3A_107 = arith.constant 0 : index
    %get3A_108 = tpu.vector_load %arg12[%get3A_106, %get3A_107] {strides = array<i32>} : memref<4x128xi32, #tpu.memory_space<vmem>>, vector<16xi32>,
    %gather3A = tpu.vector_load_idx %arg8[%get3A_108] : memref<16384xf32, #tpu.memory_space<vmem>>[vector<16xi32>], vector<16xf32>,
    %get3A_109 = arith.constant 0 : i32
    %get3A_110 = arith.index_cast %get3A_109 : i32 to index
    %get3A_111 = arith.constant 0 : index
    %get3A_112 = tpu.vector_load %arg10[%get3A_110, %get3A_111] {strides = array<i32>} : memref<4x128xf32, #tpu.memory_space<vmem>>, vector<16xf32>,
    %mul3A_113 = arith.mulf %gather3A, %get3A_112 : vector<16xf32>
    %shift_right_arithmetic3A = arith.constant 4 : i32
    %shift_right_arithmetic3A_114 = vector.broadcast %shift_right_arithmetic3A : i32 to vector<16xi32>
    %shift_right_arithmetic3A_115 = arith.shrsi %get3A_104, %shift_right_arithmetic3A_114 : vector<16xi32>
    %and3A_116 = arith.constant 15 : i32
    %and3A_117 = vector.broadcast %and3A_116 : i32 to vector<16xi32>
    %and3A_118 = arith.andi %get3A_104, %and3A_117 : vector<16xi32>
    tpu.vector_store_idx %arg9[%shift_right_arithmetic3A_115, %and3A_118], %mul3A_113 {add = true} : memref<1024x16xf32, #tpu.memory_space<vmem>>[vector<16xi32>, vector<16xi32>], vector<16xf32>,
    %get3A_119 = arith.constant 0 : i32
    %get3A_120 = arith.index_cast %get3A_119 : i32 to index
    %get3A_121 = arith.constant 16 : index
    %get3A_122 = tpu.vector_load %arg11[%get3A_120, %get3A_121] {strides = array<i32>} : memref<4x128xi32, #tpu.memory_space<vmem>>, vector<16xi32>,
    %get3A_123 = arith.constant 0 : i32
    %get3A_124 = arith.index_cast %get3A_123 : i32 to index
    %get3A_125 = arith.constant 16 : index
    %get3A_126 = tpu.vector_load %arg12[%get3A_124, %get3A_125] {strides = array<i32>} : memref<4x128xi32, #tpu.memory_space<vmem>>, vector<16xi32>,
    %gather3A_127 = tpu.vector_load_idx %arg8[%get3A_126] : memref<16384xf32, #tpu.memory_space<vmem>>[vector<16xi32>], vector<16xf32>,
    %get3A_128 = arith.constant 0 : i32
    %get3A_129 = arith.index_cast %get3A_128 : i32 to index
    %get3A_130 = arith.constant 16 : index
    %get3A_131 = tpu.vector_load %arg10[%get3A_129, %get3A_130] {strides = array<i32>} : memref<4x128xf32, #tpu.memory_space<vmem>>, vector<16xf32>,
    %mul3A_132 = arith.mulf %gather3A_127, %get3A_131 : vector<16xf32>
    %shift_right_arithmetic3A_133 = arith.constant 4 : i32
    %shift_right_arithmetic3A_134 = vector.broadcast %shift_right_arithmetic3A_133 : i32 to vector<16xi32>
    %shift_right_arithmetic3A_135 = arith.shrsi %get3A_122, %shift_right_arithmetic3A_134 : vector<16xi32>
    %and3A_136 = arith.constant 15 : i32
    %and3A_137 = vector.broadcast %and3A_136 : i32 to vector<16xi32>
    %and3A_138 = arith.andi %get3A_122, %and3A_137 : vector<16xi32>
    tpu.vector_store_idx %arg9[%shift_right_arithmetic3A_135, %and3A_138], %mul3A_132 {add = true} : memref<1024x16xf32, #tpu.memory_space<vmem>>[vector<16xi32>, vector<16xi32>], vector<16xf32>,
    %get3A_139 = arith.constant 0 : i32
    %get3A_140 = arith.index_cast %get3A_139 : i32 to index
    %get3A_141 = arith.constant 32 : index
    %get3A_142 = tpu.vector_load %arg11[%get3A_140, %get3A_141] {strides = array<i32>} : memref<4x128xi32, #tpu.memory_space<vmem>>, vector<16xi32>,
    %get3A_143 = arith.constant 0 : i32
    %get3A_144 = arith.index_cast %get3A_143 : i32 to index
    %get3A_145 = arith.constant 32 : index
    %get3A_146 = tpu.vector_load %arg12[%get3A_144, %get3A_145] {strides = array<i32>} : memref<4x128xi32, #tpu.memory_space<vmem>>, vector<16xi32>,
    %gather3A_147 = tpu.vector_load_idx %arg8[%get3A_146] : memref<16384xf32, #tpu.memory_space<vmem>>[vector<16xi32>], vector<16xf32>,
    %get3A_148 = arith.constant 0 : i32
    %get3A_149 = arith.index_cast %get3A_148 : i32 to index
    %get3A_150 = arith.constant 32 : index
    %get3A_151 = tpu.vector_load %arg10[%get3A_149, %get3A_150] {strides = array<i32>} : memref<4x128xf32, #tpu.memory_space<vmem>>, vector<16xf32>,
    %mul3A_152 = arith.mulf %gather3A_147, %get3A_151 : vector<16xf32>
    %shift_right_arithmetic3A_153 = arith.constant 4 : i32
    %shift_right_arithmetic3A_154 = vector.broadcast %shift_right_arithmetic3A_153 : i32 to vector<16xi32>
    %shift_right_arithmetic3A_155 = arith.shrsi %get3A_142, %shift_right_arithmetic3A_154 : vector<16xi32>
    %and3A_156 = arith.constant 15 : i32
    %and3A_157 = vector.broadcast %and3A_156 : i32 to vector<16xi32>
    %and3A_158 = arith.andi %get3A_142, %and3A_157 : vector<16xi32>
    tpu.vector_store_idx %arg9[%shift_right_arithmetic3A_155, %and3A_158], %mul3A_152 {add = true} : memref<1024x16xf32, #tpu.memory_space<vmem>>[vector<16xi32>, vector<16xi32>], vector<16xf32>,
    %get3A_159 = arith.constant 0 : i32
    %get3A_160 = arith.index_cast %get3A_159 : i32 to index
    %get3A_161 = arith.constant 48 : index
    %get3A_162 = tpu.vector_load %arg11[%get3A_160, %get3A_161] {strides = array<i32>} : memref<4x128xi32, #tpu.memory_space<vmem>>, vector<16xi32>,
    %get3A_163 = arith.constant 0 : i32
    %get3A_164 = arith.index_cast %get3A_163 : i32 to index
    %get3A_165 = arith.constant 48 : index
    %get3A_166 = tpu.vector_load %arg12[%get3A_164, %get3A_165] {strides = array<i32>} : memref<4x128xi32, #tpu.memory_space<vmem>>, vector<16xi32>,
    %gather3A_167 = tpu.vector_load_idx %arg8[%get3A_166] : memref<16384xf32, #tpu.memory_space<vmem>>[vector<16xi32>], vector<16xf32>,
    %get3A_168 = arith.constant 0 : i32
    %get3A_169 = arith.index_cast %get3A_168 : i32 to index
    %get3A_170 = arith.constant 48 : index
    %get3A_171 = tpu.vector_load %arg10[%get3A_169, %get3A_170] {strides = array<i32>} : memref<4x128xf32, #tpu.memory_space<vmem>>, vector<16xf32>,
    %mul3A_172 = arith.mulf %gather3A_167, %get3A_171 : vector<16xf32>
    %shift_right_arithmetic3A_173 = arith.constant 4 : i32
    %shift_right_arithmetic3A_174 = vector.broadcast %shift_right_arithmetic3A_173 : i32 to vector<16xi32>
    %shift_right_arithmetic3A_175 = arith.shrsi %get3A_162, %shift_right_arithmetic3A_174 : vector<16xi32>
    %and3A_176 = arith.constant 15 : i32
    %and3A_177 = vector.broadcast %and3A_176 : i32 to vector<16xi32>
    %and3A_178 = arith.andi %get3A_162, %and3A_177 : vector<16xi32>
    tpu.vector_store_idx %arg9[%shift_right_arithmetic3A_175, %and3A_178], %mul3A_172 {add = true} : memref<1024x16xf32, #tpu.memory_space<vmem>>[vector<16xi32>, vector<16xi32>], vector<16xf32>,
    %get3A_179 = arith.constant 0 : i32
    %get3A_180 = arith.index_cast %get3A_179 : i32 to index
    %get3A_181 = arith.constant 64 : index
    %get3A_182 = tpu.vector_load %arg11[%get3A_180, %get3A_181] {strides = array<i32>} : memref<4x128xi32, #tpu.memory_space<vmem>>, vector<16xi32>,
    %get3A_183 = arith.constant 0 : i32
    %get3A_184 = arith.index_cast %get3A_183 : i32 to index
    %get3A_185 = arith.constant 64 : index
    %get3A_186 = tpu.vector_load %arg12[%get3A_184, %get3A_185] {strides = array<i32>} : memref<4x128xi32, #tpu.memory_space<vmem>>, vector<16xi32>,
    %gather3A_187 = tpu.vector_load_idx %arg8[%get3A_186] : memref<16384xf32, #tpu.memory_space<vmem>>[vector<16xi32>], vector<16xf32>,
    %get3A_188 = arith.constant 0 : i32
    %get3A_189 = arith.index_cast %get3A_188 : i32 to index
    %get3A_190 = arith.constant 64 : index
    %get3A_191 = tpu.vector_load %arg10[%get3A_189, %get3A_190] {strides = array<i32>} : memref<4x128xf32, #tpu.memory_space<vmem>>, vector<16xf32>,
    %mul3A_192 = arith.mulf %gather3A_187, %get3A_191 : vector<16xf32>
    %shift_right_arithmetic3A_193 = arith.constant 4 : i32
    %shift_right_arithmetic3A_194 = vector.broadcast %shift_right_arithmetic3A_193 : i32 to vector<16xi32>
    %shift_right_arithmetic3A_195 = arith.shrsi %get3A_182, %shift_right_arithmetic3A_194 : vector<16xi32>
    %and3A_196 = arith.constant 15 : i32
    %and3A_197 = vector.broadcast %and3A_196 : i32 to vector<16xi32>
    %and3A_198 = arith.andi %get3A_182, %and3A_197 : vector<16xi32>
    tpu.vector_store_idx %arg9[%shift_right_arithmetic3A_195, %and3A_198], %mul3A_192 {add = true} : memref<1024x16xf32, #tpu.memory_space<vmem>>[vector<16xi32>, vector<16xi32>], vector<16xf32>,
    %get3A_199 = arith.constant 0 : i32
    %get3A_200 = arith.index_cast %get3A_199 : i32 to index
    %get3A_201 = arith.constant 80 : index
    %get3A_202 = tpu.vector_load %arg11[%get3A_200, %get3A_201] {strides = array<i32>} : memref<4x128xi32, #tpu.memory_space<vmem>>, vector<16xi32>,
    %get3A_203 = arith.constant 0 : i32
    %get3A_204 = arith.index_cast %get3A_203 : i32 to index
    %get3A_205 = arith.constant 80 : index
    %get3A_206 = tpu.vector_load %arg12[%get3A_204, %get3A_205] {strides = array<i32>} : memref<4x128xi32, #tpu.memory_space<vmem>>, vector<16xi32>,
    %gather3A_207 = tpu.vector_load_idx %arg8[%get3A_206] : memref<16384xf32, #tpu.memory_space<vmem>>[vector<16xi32>], vector<16xf32>,
    %get3A_208 = arith.constant 0 : i32
    %get3A_209 = arith.index_cast %get3A_208 : i32 to index
    %get3A_210 = arith.constant 80 : index
    %get3A_211 = tpu.vector_load %arg10[%get3A_209, %get3A_210] {strides = array<i32>} : memref<4x128xf32, #tpu.memory_space<vmem>>, vector<16xf32>,
    %mul3A_212 = arith.mulf %gather3A_207, %get3A_211 : vector<16xf32>
    %shift_right_arithmetic3A_213 = arith.constant 4 : i32
    %shift_right_arithmetic3A_214 = vector.broadcast %shift_right_arithmetic3A_213 : i32 to vector<16xi32>
    %shift_right_arithmetic3A_215 = arith.shrsi %get3A_202, %shift_right_arithmetic3A_214 : vector<16xi32>
    %and3A_216 = arith.constant 15 : i32
    %and3A_217 = vector.broadcast %and3A_216 : i32 to vector<16xi32>
    %and3A_218 = arith.andi %get3A_202, %and3A_217 : vector<16xi32>
    tpu.vector_store_idx %arg9[%shift_right_arithmetic3A_215, %and3A_218], %mul3A_212 {add = true} : memref<1024x16xf32, #tpu.memory_space<vmem>>[vector<16xi32>, vector<16xi32>], vector<16xf32>,
    %get3A_219 = arith.constant 0 : i32
    %get3A_220 = arith.index_cast %get3A_219 : i32 to index
    %get3A_221 = arith.constant 96 : index
    %get3A_222 = tpu.vector_load %arg11[%get3A_220, %get3A_221] {strides = array<i32>} : memref<4x128xi32, #tpu.memory_space<vmem>>, vector<16xi32>,
    %get3A_223 = arith.constant 0 : i32
    %get3A_224 = arith.index_cast %get3A_223 : i32 to index
    %get3A_225 = arith.constant 96 : index
    %get3A_226 = tpu.vector_load %arg12[%get3A_224, %get3A_225] {strides = array<i32>} : memref<4x128xi32, #tpu.memory_space<vmem>>, vector<16xi32>,
    %gather3A_227 = tpu.vector_load_idx %arg8[%get3A_226] : memref<16384xf32, #tpu.memory_space<vmem>>[vector<16xi32>], vector<16xf32>,
    %get3A_228 = arith.constant 0 : i32
    %get3A_229 = arith.index_cast %get3A_228 : i32 to index
    %get3A_230 = arith.constant 96 : index
    %get3A_231 = tpu.vector_load %arg10[%get3A_229, %get3A_230] {strides = array<i32>} : memref<4x128xf32, #tpu.memory_space<vmem>>, vector<16xf32>,
    %mul3A_232 = arith.mulf %gather3A_227, %get3A_231 : vector<16xf32>
    %shift_right_arithmetic3A_233 = arith.constant 4 : i32
    %shift_right_arithmetic3A_234 = vector.broadcast %shift_right_arithmetic3A_233 : i32 to vector<16xi32>
    %shift_right_arithmetic3A_235 = arith.shrsi %get3A_222, %shift_right_arithmetic3A_234 : vector<16xi32>
    %and3A_236 = arith.constant 15 : i32
    %and3A_237 = vector.broadcast %and3A_236 : i32 to vector<16xi32>
    %and3A_238 = arith.andi %get3A_222, %and3A_237 : vector<16xi32>
    tpu.vector_store_idx %arg9[%shift_right_arithmetic3A_235, %and3A_238], %mul3A_232 {add = true} : memref<1024x16xf32, #tpu.memory_space<vmem>>[vector<16xi32>, vector<16xi32>], vector<16xf32>,
    %get3A_239 = arith.constant 0 : i32
    %get3A_240 = arith.index_cast %get3A_239 : i32 to index
    %get3A_241 = arith.constant 112 : index
    %get3A_242 = tpu.vector_load %arg11[%get3A_240, %get3A_241] {strides = array<i32>} : memref<4x128xi32, #tpu.memory_space<vmem>>, vector<16xi32>,
    %get3A_243 = arith.constant 0 : i32
    %get3A_244 = arith.index_cast %get3A_243 : i32 to index
    %get3A_245 = arith.constant 112 : index
    %get3A_246 = tpu.vector_load %arg12[%get3A_244, %get3A_245] {strides = array<i32>} : memref<4x128xi32, #tpu.memory_space<vmem>>, vector<16xi32>,
    %gather3A_247 = tpu.vector_load_idx %arg8[%get3A_246] : memref<16384xf32, #tpu.memory_space<vmem>>[vector<16xi32>], vector<16xf32>,
    %get3A_248 = arith.constant 0 : i32
    %get3A_249 = arith.index_cast %get3A_248 : i32 to index
    %get3A_250 = arith.constant 112 : index
    %get3A_251 = tpu.vector_load %arg10[%get3A_249, %get3A_250] {strides = array<i32>} : memref<4x128xf32, #tpu.memory_space<vmem>>, vector<16xf32>,
    %mul3A_252 = arith.mulf %gather3A_247, %get3A_251 : vector<16xf32>
    %shift_right_arithmetic3A_253 = arith.constant 4 : i32
    %shift_right_arithmetic3A_254 = vector.broadcast %shift_right_arithmetic3A_253 : i32 to vector<16xi32>
    %shift_right_arithmetic3A_255 = arith.shrsi %get3A_242, %shift_right_arithmetic3A_254 : vector<16xi32>
    %and3A_256 = arith.constant 15 : i32
    %and3A_257 = vector.broadcast %and3A_256 : i32 to vector<16xi32>
    %and3A_258 = arith.andi %get3A_242, %and3A_257 : vector<16xi32>
    tpu.vector_store_idx %arg9[%shift_right_arithmetic3A_255, %and3A_258], %mul3A_252 {add = true} : memref<1024x16xf32, #tpu.memory_space<vmem>>[vector<16xi32>, vector<16xi32>], vector<16xf32>,
    %get3A_259 = arith.constant 1 : i32
    %get3A_260 = arith.index_cast %get3A_259 : i32 to index
    %get3A_261 = arith.constant 0 : index
    %get3A_262 = tpu.vector_load %arg11[%get3A_260, %get3A_261] {strides = array<i32>} : memref<4x128xi32, #tpu.memory_space<vmem>>, vector<16xi32>,
    %get3A_263 = arith.constant 1 : i32
    %get3A_264 = arith.index_cast %get3A_263 : i32 to index
    %get3A_265 = arith.constant 0 : index
    %get3A_266 = tpu.vector_load %arg12[%get3A_264, %get3A_265] {strides = array<i32>} : memref<4x128xi32, #tpu.memory_space<vmem>>, vector<16xi32>,
    %gather3A_267 = tpu.vector_load_idx %arg8[%get3A_266] : memref<16384xf32, #tpu.memory_space<vmem>>[vector<16xi32>], vector<16xf32>,
    %get3A_268 = arith.constant 1 : i32
    %get3A_269 = arith.index_cast %get3A_268 : i32 to index
    %get3A_270 = arith.constant 0 : index
    %get3A_271 = tpu.vector_load %arg10[%get3A_269, %get3A_270] {strides = array<i32>} : memref<4x128xf32, #tpu.memory_space<vmem>>, vector<16xf32>,
    %mul3A_272 = arith.mulf %gather3A_267, %get3A_271 : vector<16xf32>
    %shift_right_arithmetic3A_273 = arith.constant 4 : i32
    %shift_right_arithmetic3A_274 = vector.broadcast %shift_right_arithmetic3A_273 : i32 to vector<16xi32>
    %shift_right_arithmetic3A_275 = arith.shrsi %get3A_262, %shift_right_arithmetic3A_274 : vector<16xi32>
    %and3A_276 = arith.constant 15 : i32
    %and3A_277 = vector.broadcast %and3A_276 : i32 to vector<16xi32>
    %and3A_278 = arith.andi %get3A_262, %and3A_277 : vector<16xi32>
    tpu.vector_store_idx %arg9[%shift_right_arithmetic3A_275, %and3A_278], %mul3A_272 {add = true} : memref<1024x16xf32, #tpu.memory_space<vmem>>[vector<16xi32>, vector<16xi32>], vector<16xf32>,
    %get3A_279 = arith.constant 1 : i32
    %get3A_280 = arith.index_cast %get3A_279 : i32 to index
    %get3A_281 = arith.constant 16 : index
    %get3A_282 = tpu.vector_load %arg11[%get3A_280, %get3A_281] {strides = array<i32>} : memref<4x128xi32, #tpu.memory_space<vmem>>, vector<16xi32>,
    %get3A_283 = arith.constant 1 : i32
    %get3A_284 = arith.index_cast %get3A_283 : i32 to index
    %get3A_285 = arith.constant 16 : index
    %get3A_286 = tpu.vector_load %arg12[%get3A_284, %get3A_285] {strides = array<i32>} : memref<4x128xi32, #tpu.memory_space<vmem>>, vector<16xi32>,
    %gather3A_287 = tpu.vector_load_idx %arg8[%get3A_286] : memref<16384xf32, #tpu.memory_space<vmem>>[vector<16xi32>], vector<16xf32>,
    %get3A_288 = arith.constant 1 : i32
    %get3A_289 = arith.index_cast %get3A_288 : i32 to index
    %get3A_290 = arith.constant 16 : index
    %get3A_291 = tpu.vector_load %arg10[%get3A_289, %get3A_290] {strides = array<i32>} : memref<4x128xf32, #tpu.memory_space<vmem>>, vector<16xf32>,
    %mul3A_292 = arith.mulf %gather3A_287, %get3A_291 : vector<16xf32>
    %shift_right_arithmetic3A_293 = arith.constant 4 : i32
    %shift_right_arithmetic3A_294 = vector.broadcast %shift_right_arithmetic3A_293 : i32 to vector<16xi32>
    %shift_right_arithmetic3A_295 = arith.shrsi %get3A_282, %shift_right_arithmetic3A_294 : vector<16xi32>
    %and3A_296 = arith.constant 15 : i32
    %and3A_297 = vector.broadcast %and3A_296 : i32 to vector<16xi32>
    %and3A_298 = arith.andi %get3A_282, %and3A_297 : vector<16xi32>
    tpu.vector_store_idx %arg9[%shift_right_arithmetic3A_295, %and3A_298], %mul3A_292 {add = true} : memref<1024x16xf32, #tpu.memory_space<vmem>>[vector<16xi32>, vector<16xi32>], vector<16xf32>,
    %get3A_299 = arith.constant 1 : i32
    %get3A_300 = arith.index_cast %get3A_299 : i32 to index
    %get3A_301 = arith.constant 32 : index
    %get3A_302 = tpu.vector_load %arg11[%get3A_300, %get3A_301] {strides = array<i32>} : memref<4x128xi32, #tpu.memory_space<vmem>>, vector<16xi32>,
    %get3A_303 = arith.constant 1 : i32
    %get3A_304 = arith.index_cast %get3A_303 : i32 to index
    %get3A_305 = arith.constant 32 : index
    %get3A_306 = tpu.vector_load %arg12[%get3A_304, %get3A_305] {strides = array<i32>} : memref<4x128xi32, #tpu.memory_space<vmem>>, vector<16xi32>,
    %gather3A_307 = tpu.vector_load_idx %arg8[%get3A_306] : memref<16384xf32, #tpu.memory_space<vmem>>[vector<16xi32>], vector<16xf32>,
    %get3A_308 = arith.constant 1 : i32
    %get3A_309 = arith.index_cast %get3A_308 : i32 to index
    %get3A_310 = arith.constant 32 : index
    %get3A_311 = tpu.vector_load %arg10[%get3A_309, %get3A_310] {strides = array<i32>} : memref<4x128xf32, #tpu.memory_space<vmem>>, vector<16xf32>,
    %mul3A_312 = arith.mulf %gather3A_307, %get3A_311 : vector<16xf32>
    %shift_right_arithmetic3A_313 = arith.constant 4 : i32
    %shift_right_arithmetic3A_314 = vector.broadcast %shift_right_arithmetic3A_313 : i32 to vector<16xi32>
    %shift_right_arithmetic3A_315 = arith.shrsi %get3A_302, %shift_right_arithmetic3A_314 : vector<16xi32>
    %and3A_316 = arith.constant 15 : i32
    %and3A_317 = vector.broadcast %and3A_316 : i32 to vector<16xi32>
    %and3A_318 = arith.andi %get3A_302, %and3A_317 : vector<16xi32>
    tpu.vector_store_idx %arg9[%shift_right_arithmetic3A_315, %and3A_318], %mul3A_312 {add = true} : memref<1024x16xf32, #tpu.memory_space<vmem>>[vector<16xi32>, vector<16xi32>], vector<16xf32>,
    %get3A_319 = arith.constant 1 : i32
    %get3A_320 = arith.index_cast %get3A_319 : i32 to index
    %get3A_321 = arith.constant 48 : index
    %get3A_322 = tpu.vector_load %arg11[%get3A_320, %get3A_321] {strides = array<i32>} : memref<4x128xi32, #tpu.memory_space<vmem>>, vector<16xi32>,
    %get3A_323 = arith.constant 1 : i32
    %get3A_324 = arith.index_cast %get3A_323 : i32 to index
    %get3A_325 = arith.constant 48 : index
    %get3A_326 = tpu.vector_load %arg12[%get3A_324, %get3A_325] {strides = array<i32>} : memref<4x128xi32, #tpu.memory_space<vmem>>, vector<16xi32>,
    %gather3A_327 = tpu.vector_load_idx %arg8[%get3A_326] : memref<16384xf32, #tpu.memory_space<vmem>>[vector<16xi32>], vector<16xf32>,
    %get3A_328 = arith.constant 1 : i32
    %get3A_329 = arith.index_cast %get3A_328 : i32 to index
    %get3A_330 = arith.constant 48 : index
    %get3A_331 = tpu.vector_load %arg10[%get3A_329, %get3A_330] {strides = array<i32>} : memref<4x128xf32, #tpu.memory_space<vmem>>, vector<16xf32>,
    %mul3A_332 = arith.mulf %gather3A_327, %get3A_331 : vector<16xf32>
    %shift_right_arithmetic3A_333 = arith.constant 4 : i32
    %shift_right_arithmetic3A_334 = vector.broadcast %shift_right_arithmetic3A_333 : i32 to vector<16xi32>
    %shift_right_arithmetic3A_335 = arith.shrsi %get3A_322, %shift_right_arithmetic3A_334 : vector<16xi32>
    %and3A_336 = arith.constant 15 : i32
    %and3A_337 = vector.broadcast %and3A_336 : i32 to vector<16xi32>
    %and3A_338 = arith.andi %get3A_322, %and3A_337 : vector<16xi32>
    tpu.vector_store_idx %arg9[%shift_right_arithmetic3A_335, %and3A_338], %mul3A_332 {add = true} : memref<1024x16xf32, #tpu.memory_space<vmem>>[vector<16xi32>, vector<16xi32>], vector<16xf32>,
    %get3A_339 = arith.constant 1 : i32
    %get3A_340 = arith.index_cast %get3A_339 : i32 to index
    %get3A_341 = arith.constant 64 : index
    %get3A_342 = tpu.vector_load %arg11[%get3A_340, %get3A_341] {strides = array<i32>} : memref<4x128xi32, #tpu.memory_space<vmem>>, vector<16xi32>,
    %get3A_343 = arith.constant 1 : i32
    %get3A_344 = arith.index_cast %get3A_343 : i32 to index
    %get3A_345 = arith.constant 64 : index
    %get3A_346 = tpu.vector_load %arg12[%get3A_344, %get3A_345] {strides = array<i32>} : memref<4x128xi32, #tpu.memory_space<vmem>>, vector<16xi32>,
    %gather3A_347 = tpu.vector_load_idx %arg8[%get3A_346] : memref<16384xf32, #tpu.memory_space<vmem>>[vector<16xi32>], vector<16xf32>,
    %get3A_348 = arith.constant 1 : i32
    %get3A_349 = arith.index_cast %get3A_348 : i32 to index
    %get3A_350 = arith.constant 64 : index
    %get3A_351 = tpu.vector_load %arg10[%get3A_349, %get3A_350] {strides = array<i32>} : memref<4x128xf32, #tpu.memory_space<vmem>>, vector<16xf32>,
    %mul3A_352 = arith.mulf %gather3A_347, %get3A_351 : vector<16xf32>
    %shift_right_arithmetic3A_353 = arith.constant 4 : i32
    %shift_right_arithmetic3A_354 = vector.broadcast %shift_right_arithmetic3A_353 : i32 to vector<16xi32>
    %shift_right_arithmetic3A_355 = arith.shrsi %get3A_342, %shift_right_arithmetic3A_354 : vector<16xi32>
    %and3A_356 = arith.constant 15 : i32
    %and3A_357 = vector.broadcast %and3A_356 : i32 to vector<16xi32>
    %and3A_358 = arith.andi %get3A_342, %and3A_357 : vector<16xi32>
    tpu.vector_store_idx %arg9[%shift_right_arithmetic3A_355, %and3A_358], %mul3A_352 {add = true} : memref<1024x16xf32, #tpu.memory_space<vmem>>[vector<16xi32>, vector<16xi32>], vector<16xf32>,
    %get3A_359 = arith.constant 1 : i32
    %get3A_360 = arith.index_cast %get3A_359 : i32 to index
    %get3A_361 = arith.constant 80 : index
    %get3A_362 = tpu.vector_load %arg11[%get3A_360, %get3A_361] {strides = array<i32>} : memref<4x128xi32, #tpu.memory_space<vmem>>, vector<16xi32>,
    %get3A_363 = arith.constant 1 : i32
    %get3A_364 = arith.index_cast %get3A_363 : i32 to index
    %get3A_365 = arith.constant 80 : index
    %get3A_366 = tpu.vector_load %arg12[%get3A_364, %get3A_365] {strides = array<i32>} : memref<4x128xi32, #tpu.memory_space<vmem>>, vector<16xi32>,
    %gather3A_367 = tpu.vector_load_idx %arg8[%get3A_366] : memref<16384xf32, #tpu.memory_space<vmem>>[vector<16xi32>], vector<16xf32>,
    %get3A_368 = arith.constant 1 : i32
    %get3A_369 = arith.index_cast %get3A_368 : i32 to index
    %get3A_370 = arith.constant 80 : index
    %get3A_371 = tpu.vector_load %arg10[%get3A_369, %get3A_370] {strides = array<i32>} : memref<4x128xf32, #tpu.memory_space<vmem>>, vector<16xf32>,
    %mul3A_372 = arith.mulf %gather3A_367, %get3A_371 : vector<16xf32>
    %shift_right_arithmetic3A_373 = arith.constant 4 : i32
    %shift_right_arithmetic3A_374 = vector.broadcast %shift_right_arithmetic3A_373 : i32 to vector<16xi32>
    %shift_right_arithmetic3A_375 = arith.shrsi %get3A_362, %shift_right_arithmetic3A_374 : vector<16xi32>
    %and3A_376 = arith.constant 15 : i32
    %and3A_377 = vector.broadcast %and3A_376 : i32 to vector<16xi32>
    %and3A_378 = arith.andi %get3A_362, %and3A_377 : vector<16xi32>
    tpu.vector_store_idx %arg9[%shift_right_arithmetic3A_375, %and3A_378], %mul3A_372 {add = true} : memref<1024x16xf32, #tpu.memory_space<vmem>>[vector<16xi32>, vector<16xi32>], vector<16xf32>,
    %get3A_379 = arith.constant 1 : i32
    %get3A_380 = arith.index_cast %get3A_379 : i32 to index
    %get3A_381 = arith.constant 96 : index
    %get3A_382 = tpu.vector_load %arg11[%get3A_380, %get3A_381] {strides = array<i32>} : memref<4x128xi32, #tpu.memory_space<vmem>>, vector<16xi32>,
    %get3A_383 = arith.constant 1 : i32
    %get3A_384 = arith.index_cast %get3A_383 : i32 to index
    %get3A_385 = arith.constant 96 : index
    %get3A_386 = tpu.vector_load %arg12[%get3A_384, %get3A_385] {strides = array<i32>} : memref<4x128xi32, #tpu.memory_space<vmem>>, vector<16xi32>,
    %gather3A_387 = tpu.vector_load_idx %arg8[%get3A_386] : memref<16384xf32, #tpu.memory_space<vmem>>[vector<16xi32>], vector<16xf32>,
    %get3A_388 = arith.constant 1 : i32
    %get3A_389 = arith.index_cast %get3A_388 : i32 to index
    %get3A_390 = arith.constant 96 : index
    %get3A_391 = tpu.vector_load %arg10[%get3A_389, %get3A_390] {strides = array<i32>} : memref<4x128xf32, #tpu.memory_space<vmem>>, vector<16xf32>,
    %mul3A_392 = arith.mulf %gather3A_387, %get3A_391 : vector<16xf32>
    %shift_right_arithmetic3A_393 = arith.constant 4 : i32
    %shift_right_arithmetic3A_394 = vector.broadcast %shift_right_arithmetic3A_393 : i32 to vector<16xi32>
    %shift_right_arithmetic3A_395 = arith.shrsi %get3A_382, %shift_right_arithmetic3A_394 : vector<16xi32>
    %and3A_396 = arith.constant 15 : i32
    %and3A_397 = vector.broadcast %and3A_396 : i32 to vector<16xi32>
    %and3A_398 = arith.andi %get3A_382, %and3A_397 : vector<16xi32>
    tpu.vector_store_idx %arg9[%shift_right_arithmetic3A_395, %and3A_398], %mul3A_392 {add = true} : memref<1024x16xf32, #tpu.memory_space<vmem>>[vector<16xi32>, vector<16xi32>], vector<16xf32>,
    %get3A_399 = arith.constant 1 : i32
    %get3A_400 = arith.index_cast %get3A_399 : i32 to index
    %get3A_401 = arith.constant 112 : index
    %get3A_402 = tpu.vector_load %arg11[%get3A_400, %get3A_401] {strides = array<i32>} : memref<4x128xi32, #tpu.memory_space<vmem>>, vector<16xi32>,
    %get3A_403 = arith.constant 1 : i32
    %get3A_404 = arith.index_cast %get3A_403 : i32 to index
    %get3A_405 = arith.constant 112 : index
    %get3A_406 = tpu.vector_load %arg12[%get3A_404, %get3A_405] {strides = array<i32>} : memref<4x128xi32, #tpu.memory_space<vmem>>, vector<16xi32>,
    %gather3A_407 = tpu.vector_load_idx %arg8[%get3A_406] : memref<16384xf32, #tpu.memory_space<vmem>>[vector<16xi32>], vector<16xf32>,
    %get3A_408 = arith.constant 1 : i32
    %get3A_409 = arith.index_cast %get3A_408 : i32 to index
    %get3A_410 = arith.constant 112 : index
    %get3A_411 = tpu.vector_load %arg10[%get3A_409, %get3A_410] {strides = array<i32>} : memref<4x128xf32, #tpu.memory_space<vmem>>, vector<16xf32>,
    %mul3A_412 = arith.mulf %gather3A_407, %get3A_411 : vector<16xf32>
    %shift_right_arithmetic3A_413 = arith.constant 4 : i32
    %shift_right_arithmetic3A_414 = vector.broadcast %shift_right_arithmetic3A_413 : i32 to vector<16xi32>
    %shift_right_arithmetic3A_415 = arith.shrsi %get3A_402, %shift_right_arithmetic3A_414 : vector<16xi32>
    %and3A_416 = arith.constant 15 : i32
    %and3A_417 = vector.broadcast %and3A_416 : i32 to vector<16xi32>
    %and3A_418 = arith.andi %get3A_402, %and3A_417 : vector<16xi32>
    tpu.vector_store_idx %arg9[%shift_right_arithmetic3A_415, %and3A_418], %mul3A_412 {add = true} : memref<1024x16xf32, #tpu.memory_space<vmem>>[vector<16xi32>, vector<16xi32>], vector<16xf32>,
    %get3A_419 = arith.constant 2 : i32
    %get3A_420 = arith.index_cast %get3A_419 : i32 to index
    %get3A_421 = arith.constant 0 : index
    %get3A_422 = tpu.vector_load %arg11[%get3A_420, %get3A_421] {strides = array<i32>} : memref<4x128xi32, #tpu.memory_space<vmem>>, vector<16xi32>,
    %get3A_423 = arith.constant 2 : i32
    %get3A_424 = arith.index_cast %get3A_423 : i32 to index
    %get3A_425 = arith.constant 0 : index
    %get3A_426 = tpu.vector_load %arg12[%get3A_424, %get3A_425] {strides = array<i32>} : memref<4x128xi32, #tpu.memory_space<vmem>>, vector<16xi32>,
    %gather3A_427 = tpu.vector_load_idx %arg8[%get3A_426] : memref<16384xf32, #tpu.memory_space<vmem>>[vector<16xi32>], vector<16xf32>,
    %get3A_428 = arith.constant 2 : i32
    %get3A_429 = arith.index_cast %get3A_428 : i32 to index
    %get3A_430 = arith.constant 0 : index
    %get3A_431 = tpu.vector_load %arg10[%get3A_429, %get3A_430] {strides = array<i32>} : memref<4x128xf32, #tpu.memory_space<vmem>>, vector<16xf32>,
    %mul3A_432 = arith.mulf %gather3A_427, %get3A_431 : vector<16xf32>
    %shift_right_arithmetic3A_433 = arith.constant 4 : i32
    %shift_right_arithmetic3A_434 = vector.broadcast %shift_right_arithmetic3A_433 : i32 to vector<16xi32>
    %shift_right_arithmetic3A_435 = arith.shrsi %get3A_422, %shift_right_arithmetic3A_434 : vector<16xi32>
    %and3A_436 = arith.constant 15 : i32
    %and3A_437 = vector.broadcast %and3A_436 : i32 to vector<16xi32>
    %and3A_438 = arith.andi %get3A_422, %and3A_437 : vector<16xi32>
    tpu.vector_store_idx %arg9[%shift_right_arithmetic3A_435, %and3A_438], %mul3A_432 {add = true} : memref<1024x16xf32, #tpu.memory_space<vmem>>[vector<16xi32>, vector<16xi32>], vector<16xf32>,
    %get3A_439 = arith.constant 2 : i32
    %get3A_440 = arith.index_cast %get3A_439 : i32 to index
    %get3A_441 = arith.constant 16 : index
    %get3A_442 = tpu.vector_load %arg11[%get3A_440, %get3A_441] {strides = array<i32>} : memref<4x128xi32, #tpu.memory_space<vmem>>, vector<16xi32>,
    %get3A_443 = arith.constant 2 : i32
    %get3A_444 = arith.index_cast %get3A_443 : i32 to index
    %get3A_445 = arith.constant 16 : index
    %get3A_446 = tpu.vector_load %arg12[%get3A_444, %get3A_445] {strides = array<i32>} : memref<4x128xi32, #tpu.memory_space<vmem>>, vector<16xi32>,
    %gather3A_447 = tpu.vector_load_idx %arg8[%get3A_446] : memref<16384xf32, #tpu.memory_space<vmem>>[vector<16xi32>], vector<16xf32>,
    %get3A_448 = arith.constant 2 : i32
    %get3A_449 = arith.index_cast %get3A_448 : i32 to index
    %get3A_450 = arith.constant 16 : index
    %get3A_451 = tpu.vector_load %arg10[%get3A_449, %get3A_450] {strides = array<i32>} : memref<4x128xf32, #tpu.memory_space<vmem>>, vector<16xf32>,
    %mul3A_452 = arith.mulf %gather3A_447, %get3A_451 : vector<16xf32>
    %shift_right_arithmetic3A_453 = arith.constant 4 : i32
    %shift_right_arithmetic3A_454 = vector.broadcast %shift_right_arithmetic3A_453 : i32 to vector<16xi32>
    %shift_right_arithmetic3A_455 = arith.shrsi %get3A_442, %shift_right_arithmetic3A_454 : vector<16xi32>
    %and3A_456 = arith.constant 15 : i32
    %and3A_457 = vector.broadcast %and3A_456 : i32 to vector<16xi32>
    %and3A_458 = arith.andi %get3A_442, %and3A_457 : vector<16xi32>
    tpu.vector_store_idx %arg9[%shift_right_arithmetic3A_455, %and3A_458], %mul3A_452 {add = true} : memref<1024x16xf32, #tpu.memory_space<vmem>>[vector<16xi32>, vector<16xi32>], vector<16xf32>,
    %get3A_459 = arith.constant 2 : i32
    %get3A_460 = arith.index_cast %get3A_459 : i32 to index
    %get3A_461 = arith.constant 32 : index
    %get3A_462 = tpu.vector_load %arg11[%get3A_460, %get3A_461] {strides = array<i32>} : memref<4x128xi32, #tpu.memory_space<vmem>>, vector<16xi32>,
    %get3A_463 = arith.constant 2 : i32
    %get3A_464 = arith.index_cast %get3A_463 : i32 to index
    %get3A_465 = arith.constant 32 : index
    %get3A_466 = tpu.vector_load %arg12[%get3A_464, %get3A_465] {strides = array<i32>} : memref<4x128xi32, #tpu.memory_space<vmem>>, vector<16xi32>,
    %gather3A_467 = tpu.vector_load_idx %arg8[%get3A_466] : memref<16384xf32, #tpu.memory_space<vmem>>[vector<16xi32>], vector<16xf32>,
    %get3A_468 = arith.constant 2 : i32
    %get3A_469 = arith.index_cast %get3A_468 : i32 to index
    %get3A_470 = arith.constant 32 : index
    %get3A_471 = tpu.vector_load %arg10[%get3A_469, %get3A_470] {strides = array<i32>} : memref<4x128xf32, #tpu.memory_space<vmem>>, vector<16xf32>,
    %mul3A_472 = arith.mulf %gather3A_467, %get3A_471 : vector<16xf32>
    %shift_right_arithmetic3A_473 = arith.constant 4 : i32
    %shift_right_arithmetic3A_474 = vector.broadcast %shift_right_arithmetic3A_473 : i32 to vector<16xi32>
    %shift_right_arithmetic3A_475 = arith.shrsi %get3A_462, %shift_right_arithmetic3A_474 : vector<16xi32>
    %and3A_476 = arith.constant 15 : i32
    %and3A_477 = vector.broadcast %and3A_476 : i32 to vector<16xi32>
    %and3A_478 = arith.andi %get3A_462, %and3A_477 : vector<16xi32>
    tpu.vector_store_idx %arg9[%shift_right_arithmetic3A_475, %and3A_478], %mul3A_472 {add = true} : memref<1024x16xf32, #tpu.memory_space<vmem>>[vector<16xi32>, vector<16xi32>], vector<16xf32>,
    %get3A_479 = arith.constant 2 : i32
    %get3A_480 = arith.index_cast %get3A_479 : i32 to index
    %get3A_481 = arith.constant 48 : index
    %get3A_482 = tpu.vector_load %arg11[%get3A_480, %get3A_481] {strides = array<i32>} : memref<4x128xi32, #tpu.memory_space<vmem>>, vector<16xi32>,
    %get3A_483 = arith.constant 2 : i32
    %get3A_484 = arith.index_cast %get3A_483 : i32 to index
    %get3A_485 = arith.constant 48 : index
    %get3A_486 = tpu.vector_load %arg12[%get3A_484, %get3A_485] {strides = array<i32>} : memref<4x128xi32, #tpu.memory_space<vmem>>, vector<16xi32>,
    %gather3A_487 = tpu.vector_load_idx %arg8[%get3A_486] : memref<16384xf32, #tpu.memory_space<vmem>>[vector<16xi32>], vector<16xf32>,
    %get3A_488 = arith.constant 2 : i32
    %get3A_489 = arith.index_cast %get3A_488 : i32 to index
    %get3A_490 = arith.constant 48 : index
    %get3A_491 = tpu.vector_load %arg10[%get3A_489, %get3A_490] {strides = array<i32>} : memref<4x128xf32, #tpu.memory_space<vmem>>, vector<16xf32>,
    %mul3A_492 = arith.mulf %gather3A_487, %get3A_491 : vector<16xf32>
    %shift_right_arithmetic3A_493 = arith.constant 4 : i32
    %shift_right_arithmetic3A_494 = vector.broadcast %shift_right_arithmetic3A_493 : i32 to vector<16xi32>
    %shift_right_arithmetic3A_495 = arith.shrsi %get3A_482, %shift_right_arithmetic3A_494 : vector<16xi32>
    %and3A_496 = arith.constant 15 : i32
    %and3A_497 = vector.broadcast %and3A_496 : i32 to vector<16xi32>
    %and3A_498 = arith.andi %get3A_482, %and3A_497 : vector<16xi32>
    tpu.vector_store_idx %arg9[%shift_right_arithmetic3A_495, %and3A_498], %mul3A_492 {add = true} : memref<1024x16xf32, #tpu.memory_space<vmem>>[vector<16xi32>, vector<16xi32>], vector<16xf32>,
    %get3A_499 = arith.constant 2 : i32
    %get3A_500 = arith.index_cast %get3A_499 : i32 to index
    %get3A_501 = arith.constant 64 : index
    %get3A_502 = tpu.vector_load %arg11[%get3A_500, %get3A_501] {strides = array<i32>} : memref<4x128xi32, #tpu.memory_space<vmem>>, vector<16xi32>,
    %get3A_503 = arith.constant 2 : i32
    %get3A_504 = arith.index_cast %get3A_503 : i32 to index
    %get3A_505 = arith.constant 64 : index
    %get3A_506 = tpu.vector_load %arg12[%get3A_504, %get3A_505] {strides = array<i32>} : memref<4x128xi32, #tpu.memory_space<vmem>>, vector<16xi32>,
    %gather3A_507 = tpu.vector_load_idx %arg8[%get3A_506] : memref<16384xf32, #tpu.memory_space<vmem>>[vector<16xi32>], vector<16xf32>,
    %get3A_508 = arith.constant 2 : i32
    %get3A_509 = arith.index_cast %get3A_508 : i32 to index
    %get3A_510 = arith.constant 64 : index
    %get3A_511 = tpu.vector_load %arg10[%get3A_509, %get3A_510] {strides = array<i32>} : memref<4x128xf32, #tpu.memory_space<vmem>>, vector<16xf32>,
    %mul3A_512 = arith.mulf %gather3A_507, %get3A_511 : vector<16xf32>
    %shift_right_arithmetic3A_513 = arith.constant 4 : i32
    %shift_right_arithmetic3A_514 = vector.broadcast %shift_right_arithmetic3A_513 : i32 to vector<16xi32>
    %shift_right_arithmetic3A_515 = arith.shrsi %get3A_502, %shift_right_arithmetic3A_514 : vector<16xi32>
    %and3A_516 = arith.constant 15 : i32
    %and3A_517 = vector.broadcast %and3A_516 : i32 to vector<16xi32>
    %and3A_518 = arith.andi %get3A_502, %and3A_517 : vector<16xi32>
    tpu.vector_store_idx %arg9[%shift_right_arithmetic3A_515, %and3A_518], %mul3A_512 {add = true} : memref<1024x16xf32, #tpu.memory_space<vmem>>[vector<16xi32>, vector<16xi32>], vector<16xf32>,
    %get3A_519 = arith.constant 2 : i32
    %get3A_520 = arith.index_cast %get3A_519 : i32 to index
    %get3A_521 = arith.constant 80 : index
    %get3A_522 = tpu.vector_load %arg11[%get3A_520, %get3A_521] {strides = array<i32>} : memref<4x128xi32, #tpu.memory_space<vmem>>, vector<16xi32>,
    %get3A_523 = arith.constant 2 : i32
    %get3A_524 = arith.index_cast %get3A_523 : i32 to index
    %get3A_525 = arith.constant 80 : index
    %get3A_526 = tpu.vector_load %arg12[%get3A_524, %get3A_525] {strides = array<i32>} : memref<4x128xi32, #tpu.memory_space<vmem>>, vector<16xi32>,
    %gather3A_527 = tpu.vector_load_idx %arg8[%get3A_526] : memref<16384xf32, #tpu.memory_space<vmem>>[vector<16xi32>], vector<16xf32>,
    %get3A_528 = arith.constant 2 : i32
    %get3A_529 = arith.index_cast %get3A_528 : i32 to index
    %get3A_530 = arith.constant 80 : index
    %get3A_531 = tpu.vector_load %arg10[%get3A_529, %get3A_530] {strides = array<i32>} : memref<4x128xf32, #tpu.memory_space<vmem>>, vector<16xf32>,
    %mul3A_532 = arith.mulf %gather3A_527, %get3A_531 : vector<16xf32>
    %shift_right_arithmetic3A_533 = arith.constant 4 : i32
    %shift_right_arithmetic3A_534 = vector.broadcast %shift_right_arithmetic3A_533 : i32 to vector<16xi32>
    %shift_right_arithmetic3A_535 = arith.shrsi %get3A_522, %shift_right_arithmetic3A_534 : vector<16xi32>
    %and3A_536 = arith.constant 15 : i32
    %and3A_537 = vector.broadcast %and3A_536 : i32 to vector<16xi32>
    %and3A_538 = arith.andi %get3A_522, %and3A_537 : vector<16xi32>
    tpu.vector_store_idx %arg9[%shift_right_arithmetic3A_535, %and3A_538], %mul3A_532 {add = true} : memref<1024x16xf32, #tpu.memory_space<vmem>>[vector<16xi32>, vector<16xi32>], vector<16xf32>,
    %get3A_539 = arith.constant 2 : i32
    %get3A_540 = arith.index_cast %get3A_539 : i32 to index
    %get3A_541 = arith.constant 96 : index
    %get3A_542 = tpu.vector_load %arg11[%get3A_540, %get3A_541] {strides = array<i32>} : memref<4x128xi32, #tpu.memory_space<vmem>>, vector<16xi32>,
    %get3A_543 = arith.constant 2 : i32
    %get3A_544 = arith.index_cast %get3A_543 : i32 to index
    %get3A_545 = arith.constant 96 : index
    %get3A_546 = tpu.vector_load %arg12[%get3A_544, %get3A_545] {strides = array<i32>} : memref<4x128xi32, #tpu.memory_space<vmem>>, vector<16xi32>,
    %gather3A_547 = tpu.vector_load_idx %arg8[%get3A_546] : memref<16384xf32, #tpu.memory_space<vmem>>[vector<16xi32>], vector<16xf32>,
    %get3A_548 = arith.constant 2 : i32
    %get3A_549 = arith.index_cast %get3A_548 : i32 to index
    %get3A_550 = arith.constant 96 : index
    %get3A_551 = tpu.vector_load %arg10[%get3A_549, %get3A_550] {strides = array<i32>} : memref<4x128xf32, #tpu.memory_space<vmem>>, vector<16xf32>,
    %mul3A_552 = arith.mulf %gather3A_547, %get3A_551 : vector<16xf32>
    %shift_right_arithmetic3A_553 = arith.constant 4 : i32
    %shift_right_arithmetic3A_554 = vector.broadcast %shift_right_arithmetic3A_553 : i32 to vector<16xi32>
    %shift_right_arithmetic3A_555 = arith.shrsi %get3A_542, %shift_right_arithmetic3A_554 : vector<16xi32>
    %and3A_556 = arith.constant 15 : i32
    %and3A_557 = vector.broadcast %and3A_556 : i32 to vector<16xi32>
    %and3A_558 = arith.andi %get3A_542, %and3A_557 : vector<16xi32>
    tpu.vector_store_idx %arg9[%shift_right_arithmetic3A_555, %and3A_558], %mul3A_552 {add = true} : memref<1024x16xf32, #tpu.memory_space<vmem>>[vector<16xi32>, vector<16xi32>], vector<16xf32>,
    %get3A_559 = arith.constant 2 : i32
    %get3A_560 = arith.index_cast %get3A_559 : i32 to index
    %get3A_561 = arith.constant 112 : index
    %get3A_562 = tpu.vector_load %arg11[%get3A_560, %get3A_561] {strides = array<i32>} : memref<4x128xi32, #tpu.memory_space<vmem>>, vector<16xi32>,
    %get3A_563 = arith.constant 2 : i32
    %get3A_564 = arith.index_cast %get3A_563 : i32 to index
    %get3A_565 = arith.constant 112 : index
    %get3A_566 = tpu.vector_load %arg12[%get3A_564, %get3A_565] {strides = array<i32>} : memref<4x128xi32, #tpu.memory_space<vmem>>, vector<16xi32>,
    %gather3A_567 = tpu.vector_load_idx %arg8[%get3A_566] : memref<16384xf32, #tpu.memory_space<vmem>>[vector<16xi32>], vector<16xf32>,
    %get3A_568 = arith.constant 2 : i32
    %get3A_569 = arith.index_cast %get3A_568 : i32 to index
    %get3A_570 = arith.constant 112 : index
    %get3A_571 = tpu.vector_load %arg10[%get3A_569, %get3A_570] {strides = array<i32>} : memref<4x128xf32, #tpu.memory_space<vmem>>, vector<16xf32>,
    %mul3A_572 = arith.mulf %gather3A_567, %get3A_571 : vector<16xf32>
    %shift_right_arithmetic3A_573 = arith.constant 4 : i32
    %shift_right_arithmetic3A_574 = vector.broadcast %shift_right_arithmetic3A_573 : i32 to vector<16xi32>
    %shift_right_arithmetic3A_575 = arith.shrsi %get3A_562, %shift_right_arithmetic3A_574 : vector<16xi32>
    %and3A_576 = arith.constant 15 : i32
    %and3A_577 = vector.broadcast %and3A_576 : i32 to vector<16xi32>
    %and3A_578 = arith.andi %get3A_562, %and3A_577 : vector<16xi32>
    tpu.vector_store_idx %arg9[%shift_right_arithmetic3A_575, %and3A_578], %mul3A_572 {add = true} : memref<1024x16xf32, #tpu.memory_space<vmem>>[vector<16xi32>, vector<16xi32>], vector<16xf32>,
    %get3A_579 = arith.constant 3 : i32
    %get3A_580 = arith.index_cast %get3A_579 : i32 to index
    %get3A_581 = arith.constant 0 : index
    %get3A_582 = tpu.vector_load %arg11[%get3A_580, %get3A_581] {strides = array<i32>} : memref<4x128xi32, #tpu.memory_space<vmem>>, vector<16xi32>,
    %get3A_583 = arith.constant 3 : i32
    %get3A_584 = arith.index_cast %get3A_583 : i32 to index
    %get3A_585 = arith.constant 0 : index
    %get3A_586 = tpu.vector_load %arg12[%get3A_584, %get3A_585] {strides = array<i32>} : memref<4x128xi32, #tpu.memory_space<vmem>>, vector<16xi32>,
    %gather3A_587 = tpu.vector_load_idx %arg8[%get3A_586] : memref<16384xf32, #tpu.memory_space<vmem>>[vector<16xi32>], vector<16xf32>,
    %get3A_588 = arith.constant 3 : i32
    %get3A_589 = arith.index_cast %get3A_588 : i32 to index
    %get3A_590 = arith.constant 0 : index
    %get3A_591 = tpu.vector_load %arg10[%get3A_589, %get3A_590] {strides = array<i32>} : memref<4x128xf32, #tpu.memory_space<vmem>>, vector<16xf32>,
    %mul3A_592 = arith.mulf %gather3A_587, %get3A_591 : vector<16xf32>
    %shift_right_arithmetic3A_593 = arith.constant 4 : i32
    %shift_right_arithmetic3A_594 = vector.broadcast %shift_right_arithmetic3A_593 : i32 to vector<16xi32>
    %shift_right_arithmetic3A_595 = arith.shrsi %get3A_582, %shift_right_arithmetic3A_594 : vector<16xi32>
    %and3A_596 = arith.constant 15 : i32
    %and3A_597 = vector.broadcast %and3A_596 : i32 to vector<16xi32>
    %and3A_598 = arith.andi %get3A_582, %and3A_597 : vector<16xi32>
    tpu.vector_store_idx %arg9[%shift_right_arithmetic3A_595, %and3A_598], %mul3A_592 {add = true} : memref<1024x16xf32, #tpu.memory_space<vmem>>[vector<16xi32>, vector<16xi32>], vector<16xf32>,
    %get3A_599 = arith.constant 3 : i32
    %get3A_600 = arith.index_cast %get3A_599 : i32 to index
    %get3A_601 = arith.constant 16 : index
    %get3A_602 = tpu.vector_load %arg11[%get3A_600, %get3A_601] {strides = array<i32>} : memref<4x128xi32, #tpu.memory_space<vmem>>, vector<16xi32>,
    %get3A_603 = arith.constant 3 : i32
    %get3A_604 = arith.index_cast %get3A_603 : i32 to index
    %get3A_605 = arith.constant 16 : index
    %get3A_606 = tpu.vector_load %arg12[%get3A_604, %get3A_605] {strides = array<i32>} : memref<4x128xi32, #tpu.memory_space<vmem>>, vector<16xi32>,
    %gather3A_607 = tpu.vector_load_idx %arg8[%get3A_606] : memref<16384xf32, #tpu.memory_space<vmem>>[vector<16xi32>], vector<16xf32>,
    %get3A_608 = arith.constant 3 : i32
    %get3A_609 = arith.index_cast %get3A_608 : i32 to index
    %get3A_610 = arith.constant 16 : index
    %get3A_611 = tpu.vector_load %arg10[%get3A_609, %get3A_610] {strides = array<i32>} : memref<4x128xf32, #tpu.memory_space<vmem>>, vector<16xf32>,
    %mul3A_612 = arith.mulf %gather3A_607, %get3A_611 : vector<16xf32>
    %shift_right_arithmetic3A_613 = arith.constant 4 : i32
    %shift_right_arithmetic3A_614 = vector.broadcast %shift_right_arithmetic3A_613 : i32 to vector<16xi32>
    %shift_right_arithmetic3A_615 = arith.shrsi %get3A_602, %shift_right_arithmetic3A_614 : vector<16xi32>
    %and3A_616 = arith.constant 15 : i32
    %and3A_617 = vector.broadcast %and3A_616 : i32 to vector<16xi32>
    %and3A_618 = arith.andi %get3A_602, %and3A_617 : vector<16xi32>
    tpu.vector_store_idx %arg9[%shift_right_arithmetic3A_615, %and3A_618], %mul3A_612 {add = true} : memref<1024x16xf32, #tpu.memory_space<vmem>>[vector<16xi32>, vector<16xi32>], vector<16xf32>,
    %get3A_619 = arith.constant 3 : i32
    %get3A_620 = arith.index_cast %get3A_619 : i32 to index
    %get3A_621 = arith.constant 32 : index
    %get3A_622 = tpu.vector_load %arg11[%get3A_620, %get3A_621] {strides = array<i32>} : memref<4x128xi32, #tpu.memory_space<vmem>>, vector<16xi32>,
    %get3A_623 = arith.constant 3 : i32
    %get3A_624 = arith.index_cast %get3A_623 : i32 to index
    %get3A_625 = arith.constant 32 : index
    %get3A_626 = tpu.vector_load %arg12[%get3A_624, %get3A_625] {strides = array<i32>} : memref<4x128xi32, #tpu.memory_space<vmem>>, vector<16xi32>,
    %gather3A_627 = tpu.vector_load_idx %arg8[%get3A_626] : memref<16384xf32, #tpu.memory_space<vmem>>[vector<16xi32>], vector<16xf32>,
    %get3A_628 = arith.constant 3 : i32
    %get3A_629 = arith.index_cast %get3A_628 : i32 to index
    %get3A_630 = arith.constant 32 : index
    %get3A_631 = tpu.vector_load %arg10[%get3A_629, %get3A_630] {strides = array<i32>} : memref<4x128xf32, #tpu.memory_space<vmem>>, vector<16xf32>,
    %mul3A_632 = arith.mulf %gather3A_627, %get3A_631 : vector<16xf32>
    %shift_right_arithmetic3A_633 = arith.constant 4 : i32
    %shift_right_arithmetic3A_634 = vector.broadcast %shift_right_arithmetic3A_633 : i32 to vector<16xi32>
    %shift_right_arithmetic3A_635 = arith.shrsi %get3A_622, %shift_right_arithmetic3A_634 : vector<16xi32>
    %and3A_636 = arith.constant 15 : i32
    %and3A_637 = vector.broadcast %and3A_636 : i32 to vector<16xi32>
    %and3A_638 = arith.andi %get3A_622, %and3A_637 : vector<16xi32>
    tpu.vector_store_idx %arg9[%shift_right_arithmetic3A_635, %and3A_638], %mul3A_632 {add = true} : memref<1024x16xf32, #tpu.memory_space<vmem>>[vector<16xi32>, vector<16xi32>], vector<16xf32>,
    %get3A_639 = arith.constant 3 : i32
    %get3A_640 = arith.index_cast %get3A_639 : i32 to index
    %get3A_641 = arith.constant 48 : index
    %get3A_642 = tpu.vector_load %arg11[%get3A_640, %get3A_641] {strides = array<i32>} : memref<4x128xi32, #tpu.memory_space<vmem>>, vector<16xi32>,
    %get3A_643 = arith.constant 3 : i32
    %get3A_644 = arith.index_cast %get3A_643 : i32 to index
    %get3A_645 = arith.constant 48 : index
    %get3A_646 = tpu.vector_load %arg12[%get3A_644, %get3A_645] {strides = array<i32>} : memref<4x128xi32, #tpu.memory_space<vmem>>, vector<16xi32>,
    %gather3A_647 = tpu.vector_load_idx %arg8[%get3A_646] : memref<16384xf32, #tpu.memory_space<vmem>>[vector<16xi32>], vector<16xf32>,
    %get3A_648 = arith.constant 3 : i32
    %get3A_649 = arith.index_cast %get3A_648 : i32 to index
    %get3A_650 = arith.constant 48 : index
    %get3A_651 = tpu.vector_load %arg10[%get3A_649, %get3A_650] {strides = array<i32>} : memref<4x128xf32, #tpu.memory_space<vmem>>, vector<16xf32>,
    %mul3A_652 = arith.mulf %gather3A_647, %get3A_651 : vector<16xf32>
    %shift_right_arithmetic3A_653 = arith.constant 4 : i32
    %shift_right_arithmetic3A_654 = vector.broadcast %shift_right_arithmetic3A_653 : i32 to vector<16xi32>
    %shift_right_arithmetic3A_655 = arith.shrsi %get3A_642, %shift_right_arithmetic3A_654 : vector<16xi32>
    %and3A_656 = arith.constant 15 : i32
    %and3A_657 = vector.broadcast %and3A_656 : i32 to vector<16xi32>
    %and3A_658 = arith.andi %get3A_642, %and3A_657 : vector<16xi32>
    tpu.vector_store_idx %arg9[%shift_right_arithmetic3A_655, %and3A_658], %mul3A_652 {add = true} : memref<1024x16xf32, #tpu.memory_space<vmem>>[vector<16xi32>, vector<16xi32>], vector<16xf32>,
    %get3A_659 = arith.constant 3 : i32
    %get3A_660 = arith.index_cast %get3A_659 : i32 to index
    %get3A_661 = arith.constant 64 : index
    %get3A_662 = tpu.vector_load %arg11[%get3A_660, %get3A_661] {strides = array<i32>} : memref<4x128xi32, #tpu.memory_space<vmem>>, vector<16xi32>,
    %get3A_663 = arith.constant 3 : i32
    %get3A_664 = arith.index_cast %get3A_663 : i32 to index
    %get3A_665 = arith.constant 64 : index
    %get3A_666 = tpu.vector_load %arg12[%get3A_664, %get3A_665] {strides = array<i32>} : memref<4x128xi32, #tpu.memory_space<vmem>>, vector<16xi32>,
    %gather3A_667 = tpu.vector_load_idx %arg8[%get3A_666] : memref<16384xf32, #tpu.memory_space<vmem>>[vector<16xi32>], vector<16xf32>,
    %get3A_668 = arith.constant 3 : i32
    %get3A_669 = arith.index_cast %get3A_668 : i32 to index
    %get3A_670 = arith.constant 64 : index
    %get3A_671 = tpu.vector_load %arg10[%get3A_669, %get3A_670] {strides = array<i32>} : memref<4x128xf32, #tpu.memory_space<vmem>>, vector<16xf32>,
    %mul3A_672 = arith.mulf %gather3A_667, %get3A_671 : vector<16xf32>
    %shift_right_arithmetic3A_673 = arith.constant 4 : i32
    %shift_right_arithmetic3A_674 = vector.broadcast %shift_right_arithmetic3A_673 : i32 to vector<16xi32>
    %shift_right_arithmetic3A_675 = arith.shrsi %get3A_662, %shift_right_arithmetic3A_674 : vector<16xi32>
    %and3A_676 = arith.constant 15 : i32
    %and3A_677 = vector.broadcast %and3A_676 : i32 to vector<16xi32>
    %and3A_678 = arith.andi %get3A_662, %and3A_677 : vector<16xi32>
    tpu.vector_store_idx %arg9[%shift_right_arithmetic3A_675, %and3A_678], %mul3A_672 {add = true} : memref<1024x16xf32, #tpu.memory_space<vmem>>[vector<16xi32>, vector<16xi32>], vector<16xf32>,
    %get3A_679 = arith.constant 3 : i32
    %get3A_680 = arith.index_cast %get3A_679 : i32 to index
    %get3A_681 = arith.constant 80 : index
    %get3A_682 = tpu.vector_load %arg11[%get3A_680, %get3A_681] {strides = array<i32>} : memref<4x128xi32, #tpu.memory_space<vmem>>, vector<16xi32>,
    %get3A_683 = arith.constant 3 : i32
    %get3A_684 = arith.index_cast %get3A_683 : i32 to index
    %get3A_685 = arith.constant 80 : index
    %get3A_686 = tpu.vector_load %arg12[%get3A_684, %get3A_685] {strides = array<i32>} : memref<4x128xi32, #tpu.memory_space<vmem>>, vector<16xi32>,
    %gather3A_687 = tpu.vector_load_idx %arg8[%get3A_686] : memref<16384xf32, #tpu.memory_space<vmem>>[vector<16xi32>], vector<16xf32>,
    %get3A_688 = arith.constant 3 : i32
    %get3A_689 = arith.index_cast %get3A_688 : i32 to index
    %get3A_690 = arith.constant 80 : index
    %get3A_691 = tpu.vector_load %arg10[%get3A_689, %get3A_690] {strides = array<i32>} : memref<4x128xf32, #tpu.memory_space<vmem>>, vector<16xf32>,
    %mul3A_692 = arith.mulf %gather3A_687, %get3A_691 : vector<16xf32>
    %shift_right_arithmetic3A_693 = arith.constant 4 : i32
    %shift_right_arithmetic3A_694 = vector.broadcast %shift_right_arithmetic3A_693 : i32 to vector<16xi32>
    %shift_right_arithmetic3A_695 = arith.shrsi %get3A_682, %shift_right_arithmetic3A_694 : vector<16xi32>
    %and3A_696 = arith.constant 15 : i32
    %and3A_697 = vector.broadcast %and3A_696 : i32 to vector<16xi32>
    %and3A_698 = arith.andi %get3A_682, %and3A_697 : vector<16xi32>
    tpu.vector_store_idx %arg9[%shift_right_arithmetic3A_695, %and3A_698], %mul3A_692 {add = true} : memref<1024x16xf32, #tpu.memory_space<vmem>>[vector<16xi32>, vector<16xi32>], vector<16xf32>,
    %get3A_699 = arith.constant 3 : i32
    %get3A_700 = arith.index_cast %get3A_699 : i32 to index
    %get3A_701 = arith.constant 96 : index
    %get3A_702 = tpu.vector_load %arg11[%get3A_700, %get3A_701] {strides = array<i32>} : memref<4x128xi32, #tpu.memory_space<vmem>>, vector<16xi32>,
    %get3A_703 = arith.constant 3 : i32
    %get3A_704 = arith.index_cast %get3A_703 : i32 to index
    %get3A_705 = arith.constant 96 : index
    %get3A_706 = tpu.vector_load %arg12[%get3A_704, %get3A_705] {strides = array<i32>} : memref<4x128xi32, #tpu.memory_space<vmem>>, vector<16xi32>,
    %gather3A_707 = tpu.vector_load_idx %arg8[%get3A_706] : memref<16384xf32, #tpu.memory_space<vmem>>[vector<16xi32>], vector<16xf32>,
    %get3A_708 = arith.constant 3 : i32
    %get3A_709 = arith.index_cast %get3A_708 : i32 to index
    %get3A_710 = arith.constant 96 : index
    %get3A_711 = tpu.vector_load %arg10[%get3A_709, %get3A_710] {strides = array<i32>} : memref<4x128xf32, #tpu.memory_space<vmem>>, vector<16xf32>,
    %mul3A_712 = arith.mulf %gather3A_707, %get3A_711 : vector<16xf32>
    %shift_right_arithmetic3A_713 = arith.constant 4 : i32
    %shift_right_arithmetic3A_714 = vector.broadcast %shift_right_arithmetic3A_713 : i32 to vector<16xi32>
    %shift_right_arithmetic3A_715 = arith.shrsi %get3A_702, %shift_right_arithmetic3A_714 : vector<16xi32>
    %and3A_716 = arith.constant 15 : i32
    %and3A_717 = vector.broadcast %and3A_716 : i32 to vector<16xi32>
    %and3A_718 = arith.andi %get3A_702, %and3A_717 : vector<16xi32>
    tpu.vector_store_idx %arg9[%shift_right_arithmetic3A_715, %and3A_718], %mul3A_712 {add = true} : memref<1024x16xf32, #tpu.memory_space<vmem>>[vector<16xi32>, vector<16xi32>], vector<16xf32>,
    %get3A_719 = arith.constant 3 : i32
    %get3A_720 = arith.index_cast %get3A_719 : i32 to index
    %get3A_721 = arith.constant 112 : index
    %get3A_722 = tpu.vector_load %arg11[%get3A_720, %get3A_721] {strides = array<i32>} : memref<4x128xi32, #tpu.memory_space<vmem>>, vector<16xi32>,
    %get3A_723 = arith.constant 3 : i32
    %get3A_724 = arith.index_cast %get3A_723 : i32 to index
    %get3A_725 = arith.constant 112 : index
    %get3A_726 = tpu.vector_load %arg12[%get3A_724, %get3A_725] {strides = array<i32>} : memref<4x128xi32, #tpu.memory_space<vmem>>, vector<16xi32>,
    %gather3A_727 = tpu.vector_load_idx %arg8[%get3A_726] : memref<16384xf32, #tpu.memory_space<vmem>>[vector<16xi32>], vector<16xf32>,
    %get3A_728 = arith.constant 3 : i32
    %get3A_729 = arith.index_cast %get3A_728 : i32 to index
    %get3A_730 = arith.constant 112 : index
    %get3A_731 = tpu.vector_load %arg10[%get3A_729, %get3A_730] {strides = array<i32>} : memref<4x128xf32, #tpu.memory_space<vmem>>, vector<16xf32>,
    %mul3A_732 = arith.mulf %gather3A_727, %get3A_731 : vector<16xf32>
    %shift_right_arithmetic3A_733 = arith.constant 4 : i32
    %shift_right_arithmetic3A_734 = vector.broadcast %shift_right_arithmetic3A_733 : i32 to vector<16xi32>
    %shift_right_arithmetic3A_735 = arith.shrsi %get3A_722, %shift_right_arithmetic3A_734 : vector<16xi32>
    %and3A_736 = arith.constant 15 : i32
    %and3A_737 = vector.broadcast %and3A_736 : i32 to vector<16xi32>
    %and3A_738 = arith.andi %get3A_722, %and3A_737 : vector<16xi32>
    tpu.vector_store_idx %arg9[%shift_right_arithmetic3A_735, %and3A_738], %mul3A_732 {add = true} : memref<1024x16xf32, #tpu.memory_space<vmem>>[vector<16xi32>, vector<16xi32>], vector<16xf32>,
    %eq3A_739 = arith.constant 0 : i32
    %eq3A_740 = arith.cmpi eq, %select_n3A_30, %eq3A_739 : i32
    %convert_element_type3A = arith.extui %eq3A_740 : i1 to i32
    %cond3A = arith.constant 0 : i32
    %cond3A_741 = arith.cmpi ne, %convert_element_type3A, %cond3A : i32
    scf.if %cond3A_741 {
      %mul3A_752 = arith.constant 1024 : i32
      %mul3A_753 = arith.muli %select_n3A, %mul3A_752 : i32
      "tpu.region"() ({
        %run_scoped3A = tpu.sem_alloc : memref<!tpu.dma_semaphore, #tpu.memory_space<semaphore_mem>>
        %dma_start3A_754 = arith.constant 0 : i32
        %dma_start3A_755 = tpu.memref_slice %arg14[%mul3A_753, %dma_start3A_754] : memref<2048x16xf32, #tpu.memory_space<vmem_shared>> -> memref<1024x16xf32, #tpu.memory_space<vmem_shared>>
        %dma_start3A_756 = arith.constant 0 : i32
        %dma_start3A_757 = tpu.memref_slice %arg14[%mul3A_753, %dma_start3A_756] : memref<2048x16xf32, #tpu.memory_space<vmem_shared>> -> memref<1024x16xf32, #tpu.memory_space<vmem_shared>>
        tpu.enqueue_dma source(%arg9 : memref<1024x16xf32, #tpu.memory_space<vmem>>) target(%dma_start3A_757 : memref<1024x16xf32, #tpu.memory_space<vmem_shared>>) target_semaphore(%run_scoped3A : memref<!tpu.dma_semaphore, #tpu.memory_space<semaphore_mem>>)
        %dma_wait3A_758 = arith.constant 0 : i32
        %dma_wait3A_759 = tpu.memref_slice %arg14[%mul3A_753, %dma_wait3A_758] : memref<2048x16xf32, #tpu.memory_space<vmem_shared>> -> memref<1024x16xf32, #tpu.memory_space<vmem_shared>>
        %dma_wait3A_760 = arith.constant 0 : i32
        %dma_wait3A_761 = tpu.memref_slice %arg14[%mul3A_753, %dma_wait3A_760] : memref<2048x16xf32, #tpu.memory_space<vmem_shared>> -> memref<1024x16xf32, #tpu.memory_space<vmem_shared>>
        tpu.wait_dma2 semaphore(%run_scoped3A : memref<!tpu.dma_semaphore, #tpu.memory_space<semaphore_mem>>) src(%arg9 : memref<1024x16xf32, #tpu.memory_space<vmem>>) dst(%dma_wait3A_761 : memref<1024x16xf32, #tpu.memory_space<vmem_shared>>)
        tpu.yield
      }) : () -> ()
    } else {
    }
    %barrier3A = arith.constant 0 : index
    tpu.barrier barrier_id(%barrier3A)
    %gt3A = arith.constant 0 : i32
    %gt3A_742 = arith.cmpi sgt, %select_n3A_30, %gt3A : i32
    %convert_element_type3A_743 = arith.extui %gt3A_742 : i1 to i32
    %cond3A_744 = arith.constant 0 : i32
    %cond3A_745 = arith.cmpi ne, %convert_element_type3A_743, %cond3A_744 : i32
    scf.if %cond3A_745 {
      %run_scoped3A = arith.constant 0 : i32
      "tpu.region"() ({
        %run_scoped3A_759 = tpu.sem_alloc : memref<!tpu.dma_semaphore, #tpu.memory_space<semaphore_mem>>
        %dma_start3A_760 = arith.constant 0 : i32
        %dma_start3A_761 = arith.constant 0 : i32
        %dma_start3A_762 = tpu.memref_slice %arg9[%dma_start3A_760, %dma_start3A_761] : memref<1024x16xf32, #tpu.memory_space<vmem>> -> memref<128x16xf32, #tpu.memory_space<vmem>>
        %dma_start3A_763 = arith.constant 0 : i32
        %dma_start3A_764 = tpu.memref_slice %arg13[%run_scoped3A, %dma_start3A_763] : memref<8x128xi32, #tpu.memory_space<vmem>> -> memref<1x128xi32, #tpu.memory_space<vmem>>
        %dma_start3A_765 = tpu.memref_squeeze %dma_start3A_764 : memref<1x128xi32, #tpu.memory_space<vmem>> -> memref<128xi32, #tpu.memory_space<vmem>>
        %dma_start3A_766 = arith.constant 0 : i32
        %dma_start3A_767 = arith.constant 0 : i32
        %dma_start3A_768 = tpu.memref_slice %arg14[%dma_start3A_766, %dma_start3A_767] : memref<2048x16xf32, #tpu.memory_space<vmem_shared>> -> memref<2048x16xf32, #tpu.memory_space<vmem_shared>>
        tpu.enqueue_indirect_dma source(%dma_start3A_762 : memref<128x16xf32, #tpu.memory_space<vmem>>) target(%dma_start3A_768 : memref<2048x16xf32, #tpu.memory_space<vmem_shared>>) offsets(%dma_start3A_765 : memref<128xi32, #tpu.memory_space<vmem>>) semaphore(%run_scoped3A_759 : memref<!tpu.dma_semaphore, #tpu.memory_space<semaphore_mem>>) {add = true}
        %dma_wait3A_769 = arith.constant 0 : i32
        %dma_wait3A_770 = arith.constant 0 : i32
        %dma_wait3A_771 = tpu.memref_slice %arg9[%dma_wait3A_769, %dma_wait3A_770] : memref<1024x16xf32, #tpu.memory_space<vmem>> -> memref<128x16xf32, #tpu.memory_space<vmem>>
        %dma_wait3A_772 = arith.constant 0 : i32
        %dma_wait3A_773 = tpu.memref_slice %arg13[%run_scoped3A, %dma_wait3A_772] : memref<8x128xi32, #tpu.memory_space<vmem>> -> memref<1x128xi32, #tpu.memory_space<vmem>>
        %dma_wait3A_774 = tpu.memref_squeeze %dma_wait3A_773 : memref<1x128xi32, #tpu.memory_space<vmem>> -> memref<128xi32, #tpu.memory_space<vmem>>
        %dma_wait3A_775 = arith.constant 0 : i32
        %dma_wait3A_776 = arith.constant 0 : i32
        %dma_wait3A_777 = tpu.memref_slice %arg14[%dma_wait3A_775, %dma_wait3A_776] : memref<2048x16xf32, #tpu.memory_space<vmem_shared>> -> memref<2048x16xf32, #tpu.memory_space<vmem_shared>>
        tpu.wait_indirect_dma semaphore(%run_scoped3A_759 : memref<!tpu.dma_semaphore, #tpu.memory_space<semaphore_mem>>) src(%dma_wait3A_771 : memref<128x16xf32, #tpu.memory_space<vmem>>) dst(%dma_wait3A_777 : memref<2048x16xf32, #tpu.memory_space<vmem_shared>>)
        tpu.yield
      }) : () -> ()
      %run_scoped3A_752 = arith.constant 1 : i32
      "tpu.region"() ({
        %run_scoped3A_759 = tpu.sem_alloc : memref<!tpu.dma_semaphore, #tpu.memory_space<semaphore_mem>>
        %dma_start3A_760 = arith.constant 128 : i32
        %dma_start3A_761 = arith.constant 0 : i32
        %dma_start3A_762 = tpu.memref_slice %arg9[%dma_start3A_760, %dma_start3A_761] : memref<1024x16xf32, #tpu.memory_space<vmem>> -> memref<128x16xf32, #tpu.memory_space<vmem>>
        %dma_start3A_763 = arith.constant 0 : i32
        %dma_start3A_764 = tpu.memref_slice %arg13[%run_scoped3A_752, %dma_start3A_763] : memref<8x128xi32, #tpu.memory_space<vmem>> -> memref<1x128xi32, #tpu.memory_space<vmem>>
        %dma_start3A_765 = tpu.memref_squeeze %dma_start3A_764 : memref<1x128xi32, #tpu.memory_space<vmem>> -> memref<128xi32, #tpu.memory_space<vmem>>
        %dma_start3A_766 = arith.constant 0 : i32
        %dma_start3A_767 = arith.constant 0 : i32
        %dma_start3A_768 = tpu.memref_slice %arg14[%dma_start3A_766, %dma_start3A_767] : memref<2048x16xf32, #tpu.memory_space<vmem_shared>> -> memref<2048x16xf32, #tpu.memory_space<vmem_shared>>
        tpu.enqueue_indirect_dma source(%dma_start3A_762 : memref<128x16xf32, #tpu.memory_space<vmem>>) target(%dma_start3A_768 : memref<2048x16xf32, #tpu.memory_space<vmem_shared>>) offsets(%dma_start3A_765 : memref<128xi32, #tpu.memory_space<vmem>>) semaphore(%run_scoped3A_759 : memref<!tpu.dma_semaphore, #tpu.memory_space<semaphore_mem>>) {add = true}
        %dma_wait3A_769 = arith.constant 128 : i32
        %dma_wait3A_770 = arith.constant 0 : i32
        %dma_wait3A_771 = tpu.memref_slice %arg9[%dma_wait3A_769, %dma_wait3A_770] : memref<1024x16xf32, #tpu.memory_space<vmem>> -> memref<128x16xf32, #tpu.memory_space<vmem>>
        %dma_wait3A_772 = arith.constant 0 : i32
        %dma_wait3A_773 = tpu.memref_slice %arg13[%run_scoped3A_752, %dma_wait3A_772] : memref<8x128xi32, #tpu.memory_space<vmem>> -> memref<1x128xi32, #tpu.memory_space<vmem>>
        %dma_wait3A_774 = tpu.memref_squeeze %dma_wait3A_773 : memref<1x128xi32, #tpu.memory_space<vmem>> -> memref<128xi32, #tpu.memory_space<vmem>>
        %dma_wait3A_775 = arith.constant 0 : i32
        %dma_wait3A_776 = arith.constant 0 : i32
        %dma_wait3A_777 = tpu.memref_slice %arg14[%dma_wait3A_775, %dma_wait3A_776] : memref<2048x16xf32, #tpu.memory_space<vmem_shared>> -> memref<2048x16xf32, #tpu.memory_space<vmem_shared>>
        tpu.wait_indirect_dma semaphore(%run_scoped3A_759 : memref<!tpu.dma_semaphore, #tpu.memory_space<semaphore_mem>>) src(%dma_wait3A_771 : memref<128x16xf32, #tpu.memory_space<vmem>>) dst(%dma_wait3A_777 : memref<2048x16xf32, #tpu.memory_space<vmem_shared>>)
        tpu.yield
      }) : () -> ()
      %run_scoped3A_753 = arith.constant 2 : i32
      "tpu.region"() ({
        %run_scoped3A_759 = tpu.sem_alloc : memref<!tpu.dma_semaphore, #tpu.memory_space<semaphore_mem>>
        %dma_start3A_760 = arith.constant 256 : i32
        %dma_start3A_761 = arith.constant 0 : i32
        %dma_start3A_762 = tpu.memref_slice %arg9[%dma_start3A_760, %dma_start3A_761] : memref<1024x16xf32, #tpu.memory_space<vmem>> -> memref<128x16xf32, #tpu.memory_space<vmem>>
        %dma_start3A_763 = arith.constant 0 : i32
        %dma_start3A_764 = tpu.memref_slice %arg13[%run_scoped3A_753, %dma_start3A_763] : memref<8x128xi32, #tpu.memory_space<vmem>> -> memref<1x128xi32, #tpu.memory_space<vmem>>
        %dma_start3A_765 = tpu.memref_squeeze %dma_start3A_764 : memref<1x128xi32, #tpu.memory_space<vmem>> -> memref<128xi32, #tpu.memory_space<vmem>>
        %dma_start3A_766 = arith.constant 0 : i32
        %dma_start3A_767 = arith.constant 0 : i32
        %dma_start3A_768 = tpu.memref_slice %arg14[%dma_start3A_766, %dma_start3A_767] : memref<2048x16xf32, #tpu.memory_space<vmem_shared>> -> memref<2048x16xf32, #tpu.memory_space<vmem_shared>>
        tpu.enqueue_indirect_dma source(%dma_start3A_762 : memref<128x16xf32, #tpu.memory_space<vmem>>) target(%dma_start3A_768 : memref<2048x16xf32, #tpu.memory_space<vmem_shared>>) offsets(%dma_start3A_765 : memref<128xi32, #tpu.memory_space<vmem>>) semaphore(%run_scoped3A_759 : memref<!tpu.dma_semaphore, #tpu.memory_space<semaphore_mem>>) {add = true}
        %dma_wait3A_769 = arith.constant 256 : i32
        %dma_wait3A_770 = arith.constant 0 : i32
        %dma_wait3A_771 = tpu.memref_slice %arg9[%dma_wait3A_769, %dma_wait3A_770] : memref<1024x16xf32, #tpu.memory_space<vmem>> -> memref<128x16xf32, #tpu.memory_space<vmem>>
        %dma_wait3A_772 = arith.constant 0 : i32
        %dma_wait3A_773 = tpu.memref_slice %arg13[%run_scoped3A_753, %dma_wait3A_772] : memref<8x128xi32, #tpu.memory_space<vmem>> -> memref<1x128xi32, #tpu.memory_space<vmem>>
        %dma_wait3A_774 = tpu.memref_squeeze %dma_wait3A_773 : memref<1x128xi32, #tpu.memory_space<vmem>> -> memref<128xi32, #tpu.memory_space<vmem>>
        %dma_wait3A_775 = arith.constant 0 : i32
        %dma_wait3A_776 = arith.constant 0 : i32
        %dma_wait3A_777 = tpu.memref_slice %arg14[%dma_wait3A_775, %dma_wait3A_776] : memref<2048x16xf32, #tpu.memory_space<vmem_shared>> -> memref<2048x16xf32, #tpu.memory_space<vmem_shared>>
        tpu.wait_indirect_dma semaphore(%run_scoped3A_759 : memref<!tpu.dma_semaphore, #tpu.memory_space<semaphore_mem>>) src(%dma_wait3A_771 : memref<128x16xf32, #tpu.memory_space<vmem>>) dst(%dma_wait3A_777 : memref<2048x16xf32, #tpu.memory_space<vmem_shared>>)
        tpu.yield
      }) : () -> ()
      %run_scoped3A_754 = arith.constant 3 : i32
      "tpu.region"() ({
        %run_scoped3A_759 = tpu.sem_alloc : memref<!tpu.dma_semaphore, #tpu.memory_space<semaphore_mem>>
        %dma_start3A_760 = arith.constant 384 : i32
        %dma_start3A_761 = arith.constant 0 : i32
        %dma_start3A_762 = tpu.memref_slice %arg9[%dma_start3A_760, %dma_start3A_761] : memref<1024x16xf32, #tpu.memory_space<vmem>> -> memref<128x16xf32, #tpu.memory_space<vmem>>
        %dma_start3A_763 = arith.constant 0 : i32
        %dma_start3A_764 = tpu.memref_slice %arg13[%run_scoped3A_754, %dma_start3A_763] : memref<8x128xi32, #tpu.memory_space<vmem>> -> memref<1x128xi32, #tpu.memory_space<vmem>>
        %dma_start3A_765 = tpu.memref_squeeze %dma_start3A_764 : memref<1x128xi32, #tpu.memory_space<vmem>> -> memref<128xi32, #tpu.memory_space<vmem>>
        %dma_start3A_766 = arith.constant 0 : i32
        %dma_start3A_767 = arith.constant 0 : i32
        %dma_start3A_768 = tpu.memref_slice %arg14[%dma_start3A_766, %dma_start3A_767] : memref<2048x16xf32, #tpu.memory_space<vmem_shared>> -> memref<2048x16xf32, #tpu.memory_space<vmem_shared>>
        tpu.enqueue_indirect_dma source(%dma_start3A_762 : memref<128x16xf32, #tpu.memory_space<vmem>>) target(%dma_start3A_768 : memref<2048x16xf32, #tpu.memory_space<vmem_shared>>) offsets(%dma_start3A_765 : memref<128xi32, #tpu.memory_space<vmem>>) semaphore(%run_scoped3A_759 : memref<!tpu.dma_semaphore, #tpu.memory_space<semaphore_mem>>) {add = true}
        %dma_wait3A_769 = arith.constant 384 : i32
        %dma_wait3A_770 = arith.constant 0 : i32
        %dma_wait3A_771 = tpu.memref_slice %arg9[%dma_wait3A_769, %dma_wait3A_770] : memref<1024x16xf32, #tpu.memory_space<vmem>> -> memref<128x16xf32, #tpu.memory_space<vmem>>
        %dma_wait3A_772 = arith.constant 0 : i32
        %dma_wait3A_773 = tpu.memref_slice %arg13[%run_scoped3A_754, %dma_wait3A_772] : memref<8x128xi32, #tpu.memory_space<vmem>> -> memref<1x128xi32, #tpu.memory_space<vmem>>
        %dma_wait3A_774 = tpu.memref_squeeze %dma_wait3A_773 : memref<1x128xi32, #tpu.memory_space<vmem>> -> memref<128xi32, #tpu.memory_space<vmem>>
        %dma_wait3A_775 = arith.constant 0 : i32
        %dma_wait3A_776 = arith.constant 0 : i32
        %dma_wait3A_777 = tpu.memref_slice %arg14[%dma_wait3A_775, %dma_wait3A_776] : memref<2048x16xf32, #tpu.memory_space<vmem_shared>> -> memref<2048x16xf32, #tpu.memory_space<vmem_shared>>
        tpu.wait_indirect_dma semaphore(%run_scoped3A_759 : memref<!tpu.dma_semaphore, #tpu.memory_space<semaphore_mem>>) src(%dma_wait3A_771 : memref<128x16xf32, #tpu.memory_space<vmem>>) dst(%dma_wait3A_777 : memref<2048x16xf32, #tpu.memory_space<vmem_shared>>)
        tpu.yield
      }) : () -> ()
      %run_scoped3A_755 = arith.constant 4 : i32
      "tpu.region"() ({
        %run_scoped3A_759 = tpu.sem_alloc : memref<!tpu.dma_semaphore, #tpu.memory_space<semaphore_mem>>
        %dma_start3A_760 = arith.constant 512 : i32
        %dma_start3A_761 = arith.constant 0 : i32
        %dma_start3A_762 = tpu.memref_slice %arg9[%dma_start3A_760, %dma_start3A_761] : memref<1024x16xf32, #tpu.memory_space<vmem>> -> memref<128x16xf32, #tpu.memory_space<vmem>>
        %dma_start3A_763 = arith.constant 0 : i32
        %dma_start3A_764 = tpu.memref_slice %arg13[%run_scoped3A_755, %dma_start3A_763] : memref<8x128xi32, #tpu.memory_space<vmem>> -> memref<1x128xi32, #tpu.memory_space<vmem>>
        %dma_start3A_765 = tpu.memref_squeeze %dma_start3A_764 : memref<1x128xi32, #tpu.memory_space<vmem>> -> memref<128xi32, #tpu.memory_space<vmem>>
        %dma_start3A_766 = arith.constant 0 : i32
        %dma_start3A_767 = arith.constant 0 : i32
        %dma_start3A_768 = tpu.memref_slice %arg14[%dma_start3A_766, %dma_start3A_767] : memref<2048x16xf32, #tpu.memory_space<vmem_shared>> -> memref<2048x16xf32, #tpu.memory_space<vmem_shared>>
        tpu.enqueue_indirect_dma source(%dma_start3A_762 : memref<128x16xf32, #tpu.memory_space<vmem>>) target(%dma_start3A_768 : memref<2048x16xf32, #tpu.memory_space<vmem_shared>>) offsets(%dma_start3A_765 : memref<128xi32, #tpu.memory_space<vmem>>) semaphore(%run_scoped3A_759 : memref<!tpu.dma_semaphore, #tpu.memory_space<semaphore_mem>>) {add = true}
        %dma_wait3A_769 = arith.constant 512 : i32
        %dma_wait3A_770 = arith.constant 0 : i32
        %dma_wait3A_771 = tpu.memref_slice %arg9[%dma_wait3A_769, %dma_wait3A_770] : memref<1024x16xf32, #tpu.memory_space<vmem>> -> memref<128x16xf32, #tpu.memory_space<vmem>>
        %dma_wait3A_772 = arith.constant 0 : i32
        %dma_wait3A_773 = tpu.memref_slice %arg13[%run_scoped3A_755, %dma_wait3A_772] : memref<8x128xi32, #tpu.memory_space<vmem>> -> memref<1x128xi32, #tpu.memory_space<vmem>>
        %dma_wait3A_774 = tpu.memref_squeeze %dma_wait3A_773 : memref<1x128xi32, #tpu.memory_space<vmem>> -> memref<128xi32, #tpu.memory_space<vmem>>
        %dma_wait3A_775 = arith.constant 0 : i32
        %dma_wait3A_776 = arith.constant 0 : i32
        %dma_wait3A_777 = tpu.memref_slice %arg14[%dma_wait3A_775, %dma_wait3A_776] : memref<2048x16xf32, #tpu.memory_space<vmem_shared>> -> memref<2048x16xf32, #tpu.memory_space<vmem_shared>>
        tpu.wait_indirect_dma semaphore(%run_scoped3A_759 : memref<!tpu.dma_semaphore, #tpu.memory_space<semaphore_mem>>) src(%dma_wait3A_771 : memref<128x16xf32, #tpu.memory_space<vmem>>) dst(%dma_wait3A_777 : memref<2048x16xf32, #tpu.memory_space<vmem_shared>>)
        tpu.yield
      }) : () -> ()
      %run_scoped3A_756 = arith.constant 5 : i32
      "tpu.region"() ({
        %run_scoped3A_759 = tpu.sem_alloc : memref<!tpu.dma_semaphore, #tpu.memory_space<semaphore_mem>>
        %dma_start3A_760 = arith.constant 640 : i32
        %dma_start3A_761 = arith.constant 0 : i32
        %dma_start3A_762 = tpu.memref_slice %arg9[%dma_start3A_760, %dma_start3A_761] : memref<1024x16xf32, #tpu.memory_space<vmem>> -> memref<128x16xf32, #tpu.memory_space<vmem>>
        %dma_start3A_763 = arith.constant 0 : i32
        %dma_start3A_764 = tpu.memref_slice %arg13[%run_scoped3A_756, %dma_start3A_763] : memref<8x128xi32, #tpu.memory_space<vmem>> -> memref<1x128xi32, #tpu.memory_space<vmem>>
        %dma_start3A_765 = tpu.memref_squeeze %dma_start3A_764 : memref<1x128xi32, #tpu.memory_space<vmem>> -> memref<128xi32, #tpu.memory_space<vmem>>
        %dma_start3A_766 = arith.constant 0 : i32
        %dma_start3A_767 = arith.constant 0 : i32
        %dma_start3A_768 = tpu.memref_slice %arg14[%dma_start3A_766, %dma_start3A_767] : memref<2048x16xf32, #tpu.memory_space<vmem_shared>> -> memref<2048x16xf32, #tpu.memory_space<vmem_shared>>
        tpu.enqueue_indirect_dma source(%dma_start3A_762 : memref<128x16xf32, #tpu.memory_space<vmem>>) target(%dma_start3A_768 : memref<2048x16xf32, #tpu.memory_space<vmem_shared>>) offsets(%dma_start3A_765 : memref<128xi32, #tpu.memory_space<vmem>>) semaphore(%run_scoped3A_759 : memref<!tpu.dma_semaphore, #tpu.memory_space<semaphore_mem>>) {add = true}
        %dma_wait3A_769 = arith.constant 640 : i32
        %dma_wait3A_770 = arith.constant 0 : i32
        %dma_wait3A_771 = tpu.memref_slice %arg9[%dma_wait3A_769, %dma_wait3A_770] : memref<1024x16xf32, #tpu.memory_space<vmem>> -> memref<128x16xf32, #tpu.memory_space<vmem>>
        %dma_wait3A_772 = arith.constant 0 : i32
        %dma_wait3A_773 = tpu.memref_slice %arg13[%run_scoped3A_756, %dma_wait3A_772] : memref<8x128xi32, #tpu.memory_space<vmem>> -> memref<1x128xi32, #tpu.memory_space<vmem>>
        %dma_wait3A_774 = tpu.memref_squeeze %dma_wait3A_773 : memref<1x128xi32, #tpu.memory_space<vmem>> -> memref<128xi32, #tpu.memory_space<vmem>>
        %dma_wait3A_775 = arith.constant 0 : i32
        %dma_wait3A_776 = arith.constant 0 : i32
        %dma_wait3A_777 = tpu.memref_slice %arg14[%dma_wait3A_775, %dma_wait3A_776] : memref<2048x16xf32, #tpu.memory_space<vmem_shared>> -> memref<2048x16xf32, #tpu.memory_space<vmem_shared>>
        tpu.wait_indirect_dma semaphore(%run_scoped3A_759 : memref<!tpu.dma_semaphore, #tpu.memory_space<semaphore_mem>>) src(%dma_wait3A_771 : memref<128x16xf32, #tpu.memory_space<vmem>>) dst(%dma_wait3A_777 : memref<2048x16xf32, #tpu.memory_space<vmem_shared>>)
        tpu.yield
      }) : () -> ()
      %run_scoped3A_757 = arith.constant 6 : i32
      "tpu.region"() ({
        %run_scoped3A_759 = tpu.sem_alloc : memref<!tpu.dma_semaphore, #tpu.memory_space<semaphore_mem>>
        %dma_start3A_760 = arith.constant 768 : i32
        %dma_start3A_761 = arith.constant 0 : i32
        %dma_start3A_762 = tpu.memref_slice %arg9[%dma_start3A_760, %dma_start3A_761] : memref<1024x16xf32, #tpu.memory_space<vmem>> -> memref<128x16xf32, #tpu.memory_space<vmem>>
        %dma_start3A_763 = arith.constant 0 : i32
        %dma_start3A_764 = tpu.memref_slice %arg13[%run_scoped3A_757, %dma_start3A_763] : memref<8x128xi32, #tpu.memory_space<vmem>> -> memref<1x128xi32, #tpu.memory_space<vmem>>
        %dma_start3A_765 = tpu.memref_squeeze %dma_start3A_764 : memref<1x128xi32, #tpu.memory_space<vmem>> -> memref<128xi32, #tpu.memory_space<vmem>>
        %dma_start3A_766 = arith.constant 0 : i32
        %dma_start3A_767 = arith.constant 0 : i32
        %dma_start3A_768 = tpu.memref_slice %arg14[%dma_start3A_766, %dma_start3A_767] : memref<2048x16xf32, #tpu.memory_space<vmem_shared>> -> memref<2048x16xf32, #tpu.memory_space<vmem_shared>>
        tpu.enqueue_indirect_dma source(%dma_start3A_762 : memref<128x16xf32, #tpu.memory_space<vmem>>) target(%dma_start3A_768 : memref<2048x16xf32, #tpu.memory_space<vmem_shared>>) offsets(%dma_start3A_765 : memref<128xi32, #tpu.memory_space<vmem>>) semaphore(%run_scoped3A_759 : memref<!tpu.dma_semaphore, #tpu.memory_space<semaphore_mem>>) {add = true}
        %dma_wait3A_769 = arith.constant 768 : i32
        %dma_wait3A_770 = arith.constant 0 : i32
        %dma_wait3A_771 = tpu.memref_slice %arg9[%dma_wait3A_769, %dma_wait3A_770] : memref<1024x16xf32, #tpu.memory_space<vmem>> -> memref<128x16xf32, #tpu.memory_space<vmem>>
        %dma_wait3A_772 = arith.constant 0 : i32
        %dma_wait3A_773 = tpu.memref_slice %arg13[%run_scoped3A_757, %dma_wait3A_772] : memref<8x128xi32, #tpu.memory_space<vmem>> -> memref<1x128xi32, #tpu.memory_space<vmem>>
        %dma_wait3A_774 = tpu.memref_squeeze %dma_wait3A_773 : memref<1x128xi32, #tpu.memory_space<vmem>> -> memref<128xi32, #tpu.memory_space<vmem>>
        %dma_wait3A_775 = arith.constant 0 : i32
        %dma_wait3A_776 = arith.constant 0 : i32
        %dma_wait3A_777 = tpu.memref_slice %arg14[%dma_wait3A_775, %dma_wait3A_776] : memref<2048x16xf32, #tpu.memory_space<vmem_shared>> -> memref<2048x16xf32, #tpu.memory_space<vmem_shared>>
        tpu.wait_indirect_dma semaphore(%run_scoped3A_759 : memref<!tpu.dma_semaphore, #tpu.memory_space<semaphore_mem>>) src(%dma_wait3A_771 : memref<128x16xf32, #tpu.memory_space<vmem>>) dst(%dma_wait3A_777 : memref<2048x16xf32, #tpu.memory_space<vmem_shared>>)
        tpu.yield
      }) : () -> ()
      %run_scoped3A_758 = arith.constant 7 : i32
      "tpu.region"() ({
        %run_scoped3A_759 = tpu.sem_alloc : memref<!tpu.dma_semaphore, #tpu.memory_space<semaphore_mem>>
        %dma_start3A_760 = arith.constant 896 : i32
        %dma_start3A_761 = arith.constant 0 : i32
        %dma_start3A_762 = tpu.memref_slice %arg9[%dma_start3A_760, %dma_start3A_761] : memref<1024x16xf32, #tpu.memory_space<vmem>> -> memref<128x16xf32, #tpu.memory_space<vmem>>
        %dma_start3A_763 = arith.constant 0 : i32
        %dma_start3A_764 = tpu.memref_slice %arg13[%run_scoped3A_758, %dma_start3A_763] : memref<8x128xi32, #tpu.memory_space<vmem>> -> memref<1x128xi32, #tpu.memory_space<vmem>>
        %dma_start3A_765 = tpu.memref_squeeze %dma_start3A_764 : memref<1x128xi32, #tpu.memory_space<vmem>> -> memref<128xi32, #tpu.memory_space<vmem>>
        %dma_start3A_766 = arith.constant 0 : i32
        %dma_start3A_767 = arith.constant 0 : i32
        %dma_start3A_768 = tpu.memref_slice %arg14[%dma_start3A_766, %dma_start3A_767] : memref<2048x16xf32, #tpu.memory_space<vmem_shared>> -> memref<2048x16xf32, #tpu.memory_space<vmem_shared>>
        tpu.enqueue_indirect_dma source(%dma_start3A_762 : memref<128x16xf32, #tpu.memory_space<vmem>>) target(%dma_start3A_768 : memref<2048x16xf32, #tpu.memory_space<vmem_shared>>) offsets(%dma_start3A_765 : memref<128xi32, #tpu.memory_space<vmem>>) semaphore(%run_scoped3A_759 : memref<!tpu.dma_semaphore, #tpu.memory_space<semaphore_mem>>) {add = true}
        %dma_wait3A_769 = arith.constant 896 : i32
        %dma_wait3A_770 = arith.constant 0 : i32
        %dma_wait3A_771 = tpu.memref_slice %arg9[%dma_wait3A_769, %dma_wait3A_770] : memref<1024x16xf32, #tpu.memory_space<vmem>> -> memref<128x16xf32, #tpu.memory_space<vmem>>
        %dma_wait3A_772 = arith.constant 0 : i32
        %dma_wait3A_773 = tpu.memref_slice %arg13[%run_scoped3A_758, %dma_wait3A_772] : memref<8x128xi32, #tpu.memory_space<vmem>> -> memref<1x128xi32, #tpu.memory_space<vmem>>
        %dma_wait3A_774 = tpu.memref_squeeze %dma_wait3A_773 : memref<1x128xi32, #tpu.memory_space<vmem>> -> memref<128xi32, #tpu.memory_space<vmem>>
        %dma_wait3A_775 = arith.constant 0 : i32
        %dma_wait3A_776 = arith.constant 0 : i32
        %dma_wait3A_777 = tpu.memref_slice %arg14[%dma_wait3A_775, %dma_wait3A_776] : memref<2048x16xf32, #tpu.memory_space<vmem_shared>> -> memref<2048x16xf32, #tpu.memory_space<vmem_shared>>
        tpu.wait_indirect_dma semaphore(%run_scoped3A_759 : memref<!tpu.dma_semaphore, #tpu.memory_space<semaphore_mem>>) src(%dma_wait3A_771 : memref<128x16xf32, #tpu.memory_space<vmem>>) dst(%dma_wait3A_777 : memref<2048x16xf32, #tpu.memory_space<vmem_shared>>)
        tpu.yield
      }) : () -> ()
    } else {
    }
    %barrier3A_746 = arith.constant 0 : index
    tpu.barrier barrier_id(%barrier3A_746)
    %mul3A_747 = arith.constant 128 : i32
    %mul3A_748 = arith.muli %select_n3A_30, %mul3A_747 : i32
    %mul3A_749 = arith.constant 1024 : i32
    %mul3A_750 = arith.muli %select_n3A, %mul3A_749 : i32
    %add3A_751 = arith.addi %mul3A_750, %mul3A_748 : i32
    "tpu.region"() ({
      %run_scoped3A = tpu.sem_alloc : memref<!tpu.dma_semaphore, #tpu.memory_space<semaphore_mem>>
      %dma_start3A_752 = arith.constant 0 : i32
      %dma_start3A_753 = tpu.memref_slice %arg7[%add3A, %mul3A_748, %dma_start3A_752] : memref<4x1024x16xf32, #tpu.memory_space<hbm>> -> memref<1x128x16xf32, #tpu.memory_space<hbm>>
      %dma_start3A_754 = tpu.memref_squeeze %dma_start3A_753 : memref<1x128x16xf32, #tpu.memory_space<hbm>> -> memref<128x16xf32, #tpu.memory_space<hbm>>
      %dma_start3A_755 = arith.constant 0 : i32
      %dma_start3A_756 = tpu.memref_slice %arg14[%add3A_751, %dma_start3A_755] : memref<2048x16xf32, #tpu.memory_space<vmem_shared>> -> memref<128x16xf32, #tpu.memory_space<vmem_shared>>
      tpu.enqueue_dma source(%dma_start3A_756 : memref<128x16xf32, #tpu.memory_space<vmem_shared>>) target(%dma_start3A_754 : memref<128x16xf32, #tpu.memory_space<hbm>>) target_semaphore(%run_scoped3A : memref<!tpu.dma_semaphore, #tpu.memory_space<semaphore_mem>>)
      %dma_wait3A_757 = arith.constant 0 : i32
      %dma_wait3A_758 = tpu.memref_slice %arg7[%add3A, %mul3A_748, %dma_wait3A_757] : memref<4x1024x16xf32, #tpu.memory_space<hbm>> -> memref<1x128x16xf32, #tpu.memory_space<hbm>>
      %dma_wait3A_759 = tpu.memref_squeeze %dma_wait3A_758 : memref<1x128x16xf32, #tpu.memory_space<hbm>> -> memref<128x16xf32, #tpu.memory_space<hbm>>
      %dma_wait3A_760 = arith.constant 0 : i32
      %dma_wait3A_761 = tpu.memref_slice %arg14[%add3A_751, %dma_wait3A_760] : memref<2048x16xf32, #tpu.memory_space<vmem_shared>> -> memref<128x16xf32, #tpu.memory_space<vmem_shared>>
      tpu.wait_dma2 semaphore(%run_scoped3A : memref<!tpu.dma_semaphore, #tpu.memory_space<semaphore_mem>>) src(%dma_wait3A_761 : memref<128x16xf32, #tpu.memory_space<vmem_shared>>) dst(%dma_wait3A_759 : memref<128x16xf32, #tpu.memory_space<hbm>>)
      tpu.yield
    }) : () -> ()
    return
  }
}

module attributes {stable_mosaic.version = 14 : i64} {
  func.func @_tc_weights_body(%arg0: i32, %arg1: memref<1x4096x4xi32, #tpu.memory_space<vmem>>, %arg2: memref<1x4x256xf32, #tpu.memory_space<vmem>>, %arg3: memref<1x4x256xf32, #tpu.memory_space<vmem>>, %arg4: memref<1x1x256xf32, #tpu.memory_space<vmem>>, %arg5: memref<1x32x128xf32, #tpu.memory_space<vmem>>, %arg6: memref<1x32x128xi32, #tpu.memory_space<vmem>>, %arg7: memref<1x32x128xi32, #tpu.memory_space<vmem>>) attributes {dimension_semantics = [#tpu.dimension_semantics<arbitrary>], iteration_bounds = array<i64: 4>, scalar_prefetch = 0 : i64, scratch_operands = 0 : i64, tpu.core_type = #tpu.core_type<tc>, window_params = [{transform_indices = @transform_0, window_bounds = array<i64: 1, 4096, 4>}, {transform_indices = @transform_1, window_bounds = array<i64: 1, 4, 256>}, {transform_indices = @transform_2, window_bounds = array<i64: 1, 4, 256>}, {transform_indices = @transform_3, window_bounds = array<i64: 1, 1, 256>}, {transform_indices = @transform_4, window_bounds = array<i64: 1, 32, 128>}, {transform_indices = @transform_5, window_bounds = array<i64: 1, 32, 128>}, {transform_indices = @transform_6, window_bounds = array<i64: 1, 32, 128>}]} {
    %get3A = arith.constant 0 : index
    %get3A_0 = arith.constant 0 : index
    %get3A_1 = arith.constant 0 : index
    %get3A_2 = vector.load %arg1[%get3A, %get3A_0, %get3A_1] : memref<1x4096x4xi32, #tpu.memory_space<vmem>>, vector<1x4096x4xi32>
    %get3A_3 = vector.shape_cast %get3A_2 : vector<1x4096x4xi32> to vector<4096x4xi32>
    %convert_element_type3A = arith.sitofp %get3A_3 : vector<4096x4xi32> to vector<4096x4xf32>
    %slice3A = vector.extract_strided_slice %convert_element_type3A {offsets = [0, 0], sizes = [4096, 1], strides = [1, 1]} : vector<4096x4xf32> to vector<4096x1xf32>
    %get3A_4 = arith.constant 0 : index
    %get3A_5 = arith.constant 0 : index
    %get3A_6 = arith.constant 0 : index
    %get3A_7 = vector.load %arg2[%get3A_4, %get3A_5, %get3A_6] : memref<1x4x256xf32, #tpu.memory_space<vmem>>, vector<1x1x256xf32>
    %get3A_8 = vector.shape_cast %get3A_7 : vector<1x1x256xf32> to vector<1x256xf32>
    %get3A_9 = arith.constant 0 : index
    %get3A_10 = arith.constant 0 : index
    %get3A_11 = arith.constant 0 : index
    %get3A_12 = vector.load %arg3[%get3A_9, %get3A_10, %get3A_11] : memref<1x4x256xf32, #tpu.memory_space<vmem>>, vector<1x1x256xf32>
    %get3A_13 = vector.shape_cast %get3A_12 : vector<1x1x256xf32> to vector<1x256xf32>
    %sub3A = vector.broadcast %slice3A : vector<4096x1xf32> to vector<4096x256xf32>
    %sub3A_14 = vector.broadcast %get3A_8 : vector<1x256xf32> to vector<4096x256xf32>
    %sub3A_15 = arith.subf %sub3A, %sub3A_14 : vector<4096x256xf32>
    %mul3A = arith.mulf %sub3A_15, %sub3A_15 : vector<4096x256xf32>
    %add3A = arith.constant 9.99999997E-7 : f32
    %add3A_16 = vector.broadcast %add3A : f32 to vector<1x256xf32>
    %add3A_17 = arith.addf %add3A_16, %get3A_13 : vector<1x256xf32>
    %div3A = arith.constant 1.000000e+00 : f32
    %div3A_18 = vector.broadcast %div3A : f32 to vector<1x256xf32>
    %div3A_19 = arith.divf %div3A_18, %add3A_17 : vector<1x256xf32>
    %mul3A_20 = vector.broadcast %div3A_19 : vector<1x256xf32> to vector<4096x256xf32>
    %mul3A_21 = arith.mulf %mul3A, %mul3A_20 : vector<4096x256xf32>
    %slice3A_22 = vector.extract_strided_slice %convert_element_type3A {offsets = [0, 1], sizes = [4096, 1], strides = [1, 1]} : vector<4096x4xf32> to vector<4096x1xf32>
    %get3A_23 = arith.constant 0 : index
    %get3A_24 = arith.constant 1 : index
    %get3A_25 = arith.constant 0 : index
    %get3A_26 = vector.load %arg2[%get3A_23, %get3A_24, %get3A_25] : memref<1x4x256xf32, #tpu.memory_space<vmem>>, vector<1x1x256xf32>
    %get3A_27 = vector.shape_cast %get3A_26 : vector<1x1x256xf32> to vector<1x256xf32>
    %get3A_28 = arith.constant 0 : index
    %get3A_29 = arith.constant 1 : index
    %get3A_30 = arith.constant 0 : index
    %get3A_31 = vector.load %arg3[%get3A_28, %get3A_29, %get3A_30] : memref<1x4x256xf32, #tpu.memory_space<vmem>>, vector<1x1x256xf32>
    %get3A_32 = vector.shape_cast %get3A_31 : vector<1x1x256xf32> to vector<1x256xf32>
    %sub3A_33 = vector.broadcast %slice3A_22 : vector<4096x1xf32> to vector<4096x256xf32>
    %sub3A_34 = vector.broadcast %get3A_27 : vector<1x256xf32> to vector<4096x256xf32>
    %sub3A_35 = arith.subf %sub3A_33, %sub3A_34 : vector<4096x256xf32>
    %mul3A_36 = arith.mulf %sub3A_35, %sub3A_35 : vector<4096x256xf32>
    %add3A_37 = arith.constant 9.99999997E-7 : f32
    %add3A_38 = vector.broadcast %add3A_37 : f32 to vector<1x256xf32>
    %add3A_39 = arith.addf %add3A_38, %get3A_32 : vector<1x256xf32>
    %div3A_40 = arith.constant 1.000000e+00 : f32
    %div3A_41 = vector.broadcast %div3A_40 : f32 to vector<1x256xf32>
    %div3A_42 = arith.divf %div3A_41, %add3A_39 : vector<1x256xf32>
    %mul3A_43 = vector.broadcast %div3A_42 : vector<1x256xf32> to vector<4096x256xf32>
    %mul3A_44 = arith.mulf %mul3A_36, %mul3A_43 : vector<4096x256xf32>
    %add3A_45 = arith.addf %mul3A_21, %mul3A_44 : vector<4096x256xf32>
    %slice3A_46 = vector.extract_strided_slice %convert_element_type3A {offsets = [0, 2], sizes = [4096, 1], strides = [1, 1]} : vector<4096x4xf32> to vector<4096x1xf32>
    %get3A_47 = arith.constant 0 : index
    %get3A_48 = arith.constant 2 : index
    %get3A_49 = arith.constant 0 : index
    %get3A_50 = vector.load %arg2[%get3A_47, %get3A_48, %get3A_49] : memref<1x4x256xf32, #tpu.memory_space<vmem>>, vector<1x1x256xf32>
    %get3A_51 = vector.shape_cast %get3A_50 : vector<1x1x256xf32> to vector<1x256xf32>
    %get3A_52 = arith.constant 0 : index
    %get3A_53 = arith.constant 2 : index
    %get3A_54 = arith.constant 0 : index
    %get3A_55 = vector.load %arg3[%get3A_52, %get3A_53, %get3A_54] : memref<1x4x256xf32, #tpu.memory_space<vmem>>, vector<1x1x256xf32>
    %get3A_56 = vector.shape_cast %get3A_55 : vector<1x1x256xf32> to vector<1x256xf32>
    %sub3A_57 = vector.broadcast %slice3A_46 : vector<4096x1xf32> to vector<4096x256xf32>
    %sub3A_58 = vector.broadcast %get3A_51 : vector<1x256xf32> to vector<4096x256xf32>
    %sub3A_59 = arith.subf %sub3A_57, %sub3A_58 : vector<4096x256xf32>
    %mul3A_60 = arith.mulf %sub3A_59, %sub3A_59 : vector<4096x256xf32>
    %add3A_61 = arith.constant 9.99999997E-7 : f32
    %add3A_62 = vector.broadcast %add3A_61 : f32 to vector<1x256xf32>
    %add3A_63 = arith.addf %add3A_62, %get3A_56 : vector<1x256xf32>
    %div3A_64 = arith.constant 1.000000e+00 : f32
    %div3A_65 = vector.broadcast %div3A_64 : f32 to vector<1x256xf32>
    %div3A_66 = arith.divf %div3A_65, %add3A_63 : vector<1x256xf32>
    %mul3A_67 = vector.broadcast %div3A_66 : vector<1x256xf32> to vector<4096x256xf32>
    %mul3A_68 = arith.mulf %mul3A_60, %mul3A_67 : vector<4096x256xf32>
    %add3A_69 = arith.addf %add3A_45, %mul3A_68 : vector<4096x256xf32>
    %slice3A_70 = vector.extract_strided_slice %convert_element_type3A {offsets = [0, 3], sizes = [4096, 1], strides = [1, 1]} : vector<4096x4xf32> to vector<4096x1xf32>
    %get3A_71 = arith.constant 0 : index
    %get3A_72 = arith.constant 3 : index
    %get3A_73 = arith.constant 0 : index
    %get3A_74 = vector.load %arg2[%get3A_71, %get3A_72, %get3A_73] : memref<1x4x256xf32, #tpu.memory_space<vmem>>, vector<1x1x256xf32>
    %get3A_75 = vector.shape_cast %get3A_74 : vector<1x1x256xf32> to vector<1x256xf32>
    %get3A_76 = arith.constant 0 : index
    %get3A_77 = arith.constant 3 : index
    %get3A_78 = arith.constant 0 : index
    %get3A_79 = vector.load %arg3[%get3A_76, %get3A_77, %get3A_78] : memref<1x4x256xf32, #tpu.memory_space<vmem>>, vector<1x1x256xf32>
    %get3A_80 = vector.shape_cast %get3A_79 : vector<1x1x256xf32> to vector<1x256xf32>
    %sub3A_81 = vector.broadcast %slice3A_70 : vector<4096x1xf32> to vector<4096x256xf32>
    %sub3A_82 = vector.broadcast %get3A_75 : vector<1x256xf32> to vector<4096x256xf32>
    %sub3A_83 = arith.subf %sub3A_81, %sub3A_82 : vector<4096x256xf32>
    %mul3A_84 = arith.mulf %sub3A_83, %sub3A_83 : vector<4096x256xf32>
    %add3A_85 = arith.constant 9.99999997E-7 : f32
    %add3A_86 = vector.broadcast %add3A_85 : f32 to vector<1x256xf32>
    %add3A_87 = arith.addf %add3A_86, %get3A_80 : vector<1x256xf32>
    %div3A_88 = arith.constant 1.000000e+00 : f32
    %div3A_89 = vector.broadcast %div3A_88 : f32 to vector<1x256xf32>
    %div3A_90 = arith.divf %div3A_89, %add3A_87 : vector<1x256xf32>
    %mul3A_91 = vector.broadcast %div3A_90 : vector<1x256xf32> to vector<4096x256xf32>
    %mul3A_92 = arith.mulf %mul3A_84, %mul3A_91 : vector<4096x256xf32>
    %add3A_93 = arith.addf %add3A_69, %mul3A_92 : vector<4096x256xf32>
    %mul3A_94 = arith.constant -5.000000e-01 : f32
    %mul3A_95 = vector.broadcast %mul3A_94 : f32 to vector<4096x256xf32>
    %mul3A_96 = arith.mulf %mul3A_95, %add3A_93 : vector<4096x256xf32>
    %exp3A = math.exp %mul3A_96 : vector<4096x256xf32>
    %reduce_sum3A = arith.constant dense<0.000000e+00> : vector<256xf32>
    %reduce_sum3A_97 = vector.multi_reduction <add>, %exp3A, %reduce_sum3A [0] : vector<4096x256xf32> to vector<256xf32>
    %broadcast_in_dim3A = vector.shape_cast %reduce_sum3A_97 : vector<256xf32> to vector<1x256xf32>
    %add3A_98 = arith.constant 9.99999997E-7 : f32
    %add3A_99 = vector.broadcast %add3A_98 : f32 to vector<1x256xf32>
    %add3A_100 = arith.addf %broadcast_in_dim3A, %add3A_99 : vector<1x256xf32>
    %get3A_101 = arith.constant 0 : index
    %get3A_102 = arith.constant 0 : index
    %get3A_103 = arith.constant 0 : index
    %get3A_104 = vector.load %arg4[%get3A_101, %get3A_102, %get3A_103] : memref<1x1x256xf32, #tpu.memory_space<vmem>>, vector<1x1x256xf32>
    %get3A_105 = vector.shape_cast %get3A_104 : vector<1x1x256xf32> to vector<1x256xf32>
    %div3A_106 = arith.divf %get3A_105, %add3A_100 : vector<1x256xf32>
    %mul3A_107 = vector.broadcast %div3A_106 : vector<1x256xf32> to vector<4096x256xf32>
    %mul3A_108 = arith.mulf %exp3A, %mul3A_107 : vector<4096x256xf32>
    %reduce_sum3A_109 = arith.constant dense<0.000000e+00> : vector<4096xf32>
    %reduce_sum3A_110 = vector.multi_reduction <add>, %mul3A_108, %reduce_sum3A_109 [1] : vector<4096x256xf32> to vector<4096xf32>
    %broadcast_in_dim3A_111 = vector.shape_cast %reduce_sum3A_110 : vector<4096xf32> to vector<4096x1xf32>
    %reshape3A = vector.shape_cast %broadcast_in_dim3A_111 : vector<4096x1xf32> to vector<32x128xf32>
    %swap3A = arith.constant 0 : index
    %swap3A_112 = arith.constant 0 : index
    %swap3A_113 = arith.constant 0 : index
    %swap3A_114 = vector.load %arg5[%swap3A, %swap3A_112, %swap3A_113] : memref<1x32x128xf32, #tpu.memory_space<vmem>>, vector<1x32x128xf32>
    %swap3A_115 = vector.shape_cast %swap3A_114 : vector<1x32x128xf32> to vector<32x128xf32>
    %swap3A_116 = vector.shape_cast %reshape3A : vector<32x128xf32> to vector<1x32x128xf32>
    tpu.vector_store %arg5[%swap3A, %swap3A_112, %swap3A_113], %swap3A_116 {strides = array<i32>} : memref<1x32x128xf32, #tpu.memory_space<vmem>>, vector<1x32x128xf32>,
    %slice3A_117 = vector.extract_strided_slice %get3A_3 {offsets = [0, 0], sizes = [4096, 1], strides = [1, 1]} : vector<4096x4xi32> to vector<4096x1xi32>
    %mul3A_118 = arith.constant 128 : i32
    %mul3A_119 = vector.broadcast %mul3A_118 : i32 to vector<4096x1xi32>
    %mul3A_120 = arith.muli %slice3A_117, %mul3A_119 : vector<4096x1xi32>
    %slice3A_121 = vector.extract_strided_slice %get3A_3 {offsets = [0, 1], sizes = [4096, 1], strides = [1, 1]} : vector<4096x4xi32> to vector<4096x1xi32>
    %add3A_122 = arith.addi %mul3A_120, %slice3A_121 : vector<4096x1xi32>
    %slice3A_123 = vector.extract_strided_slice %get3A_3 {offsets = [0, 2], sizes = [4096, 1], strides = [1, 1]} : vector<4096x4xi32> to vector<4096x1xi32>
    %mul3A_124 = arith.constant 128 : i32
    %mul3A_125 = vector.broadcast %mul3A_124 : i32 to vector<4096x1xi32>
    %mul3A_126 = arith.muli %slice3A_123, %mul3A_125 : vector<4096x1xi32>
    %slice3A_127 = vector.extract_strided_slice %get3A_3 {offsets = [0, 3], sizes = [4096, 1], strides = [1, 1]} : vector<4096x4xi32> to vector<4096x1xi32>
    %add3A_128 = arith.addi %mul3A_126, %slice3A_127 : vector<4096x1xi32>
    %reshape3A_129 = vector.shape_cast %add3A_122 : vector<4096x1xi32> to vector<32x128xi32>
    %swap3A_130 = arith.constant 0 : index
    %swap3A_131 = arith.constant 0 : index
    %swap3A_132 = arith.constant 0 : index
    %swap3A_133 = vector.load %arg6[%swap3A_130, %swap3A_131, %swap3A_132] : memref<1x32x128xi32, #tpu.memory_space<vmem>>, vector<1x32x128xi32>
    %swap3A_134 = vector.shape_cast %swap3A_133 : vector<1x32x128xi32> to vector<32x128xi32>
    %swap3A_135 = vector.shape_cast %reshape3A_129 : vector<32x128xi32> to vector<1x32x128xi32>
    tpu.vector_store %arg6[%swap3A_130, %swap3A_131, %swap3A_132], %swap3A_135 {strides = array<i32>} : memref<1x32x128xi32, #tpu.memory_space<vmem>>, vector<1x32x128xi32>,
    %reshape3A_136 = vector.shape_cast %add3A_128 : vector<4096x1xi32> to vector<32x128xi32>
    %swap3A_137 = arith.constant 0 : index
    %swap3A_138 = arith.constant 0 : index
    %swap3A_139 = arith.constant 0 : index
    %swap3A_140 = vector.load %arg7[%swap3A_137, %swap3A_138, %swap3A_139] : memref<1x32x128xi32, #tpu.memory_space<vmem>>, vector<1x32x128xi32>
    %swap3A_141 = vector.shape_cast %swap3A_140 : vector<1x32x128xi32> to vector<32x128xi32>
    %swap3A_142 = vector.shape_cast %reshape3A_136 : vector<32x128xi32> to vector<1x32x128xi32>
    tpu.vector_store %arg7[%swap3A_137, %swap3A_138, %swap3A_139], %swap3A_142 {strides = array<i32>} : memref<1x32x128xi32, #tpu.memory_space<vmem>>, vector<1x32x128xi32>,
    return
  }
  func.func @transform_0(%arg0: i32) -> (i32, i32, i32) {
    %c0_i32 = arith.constant 0 : i32
    %c0_i32_0 = arith.constant 0 : i32
    %c0_i32_1 = arith.constant 0 : i32
    return %arg0, %c0_i32, %c0_i32_0 : i32, i32, i32
  }
  func.func @transform_1(%arg0: i32) -> (i32, i32, i32) {
    %c0_i32 = arith.constant 0 : i32
    %c0_i32_0 = arith.constant 0 : i32
    %c0_i32_1 = arith.constant 0 : i32
    return %arg0, %c0_i32, %c0_i32_0 : i32, i32, i32
  }
  func.func @transform_2(%arg0: i32) -> (i32, i32, i32) {
    %c0_i32 = arith.constant 0 : i32
    %c0_i32_0 = arith.constant 0 : i32
    %c0_i32_1 = arith.constant 0 : i32
    return %arg0, %c0_i32, %c0_i32_0 : i32, i32, i32
  }
  func.func @transform_3(%arg0: i32) -> (i32, i32, i32) {
    %c0_i32 = arith.constant 0 : i32
    %c0_i32_0 = arith.constant 0 : i32
    %c0_i32_1 = arith.constant 0 : i32
    return %arg0, %c0_i32, %c0_i32_0 : i32, i32, i32
  }
  func.func @transform_4(%arg0: i32) -> (i32, i32, i32) {
    %c0_i32 = arith.constant 0 : i32
    %c0_i32_0 = arith.constant 0 : i32
    %c0_i32_1 = arith.constant 0 : i32
    return %arg0, %c0_i32, %c0_i32_0 : i32, i32, i32
  }
  func.func @transform_5(%arg0: i32) -> (i32, i32, i32) {
    %c0_i32 = arith.constant 0 : i32
    %c0_i32_0 = arith.constant 0 : i32
    %c0_i32_1 = arith.constant 0 : i32
    return %arg0, %c0_i32, %c0_i32_0 : i32, i32, i32
  }
  func.func @transform_6(%arg0: i32) -> (i32, i32, i32) {
    %c0_i32 = arith.constant 0 : i32
    %c0_i32_0 = arith.constant 0 : i32
    %c0_i32_1 = arith.constant 0 : i32
    return %arg0, %c0_i32, %c0_i32_0 : i32, i32, i32
  }
}

</mosaic_0001>

<sc_bundles>
// kernel: kernel.4.cloned.1.call-start
scs
__scs_entry_jumppad:
0x0: {  	(pc) =	sbr.rel $0x88, $3  }
0x1: {  	(tag) =	ssettag $0x0;
	lr =	simm.s32 $0x1  }
0x2: {  	[smem:$0x3F9C] =	sst lr;
	_ =	strace $0xD0000000  }
0x3: {  	_ = 	snop  }
0x4: {  	_ = 	snop  }
0x5: {  	_ = 	snop  }
0x6: {  	_ = 	snop  }
0x7: {  	_ = 	snop  }
__scs_overlays_trampoline_lowered:
0x8: {  	[smem:$0x3FAB] =	sst s0  }
0x9: {  	[smem:$0x3FAC] =	sst s1  }
0xa: {  	[smem:$0x3FAD] =	sst s2  }
0xb: {  	[smem:$0x3FAE] =	sst s3  }
0xc: {  	[smem:$0x3FAF] =	sst s4  }
0xd: {  	[smem:$0x3FB0] =	sst s5  }
0xe: {  	[smem:$0x3FB1] =	sst s6  }
0xf: {  	[smem:$0x3FB2] =	sst s7  }
0x10: {  	[smem:$0x3FB3] =	sst s8  }
0x11: {  	[smem:$0x3FB4] =	sst s9;
	s0 =	simm.s32 @!p0 $0x0  }
0x12: {  	s1 =	sld [smem:$0x3F9A];
	s0 =	simm.s32 @p0 $0x1  }
0x13: {  	[smem:$0x3FB5] =	sst s0;
	s0 =	simm.s32 @!p1 $0x0  }
0x14: {  	s2 =	sld [smem:$0x3F99];
	s0 =	simm.s32 @p1 $0x1  }
0x15: {  	[smem:$0x3FB6] =	sst s0;
	s0 =	simm.s32 @!p2 $0x0  }
0x16: {  	s3 =	sld [smem:$0x3FDB];
	s0 =	simm.s32 @p2 $0x1  }
0x17: {  	s4 =	simm.s32 $0x1BF5;
	[smem:$0x3FB8] =	sst s0  }
0x18: {  	s0 =	sld [smem:$0x3F9B];
	_ =	swait.ge [sflag:s4], $0x0  }
0x19: {  	s7 =	sld [smem:$0x3F9C]  }
0x1a: {  	s8 =	sadd.s32 $0xFFFFE003, lr  }
0x1b: {  	s9 =	sadd.s32 $0xFFFFFEF7, lr;
	s5 =	simm.s32 $0xFFFFFFFF;
	p2 =	slt.u32 s8, $0xFFFFF086  }
0x1c: {  	p1 =	slt.u32 s9, $0xF7A;
	s5 =	simm.s32 @!p2 $0x0  }
0x1d: {  	s5 =	simm.s32 @p1 $0x1;
	p0 =	seq.s32 s7, s2  }
0x1e: {  	s7 =	smul.u32 @!p0 $0xF7A, s2;
	p2 =	seq.s32 @!p0 s5, $0x0  }
0x1f: {  	s9 =	smul.u32 $0xF7A, s1;
	s8 =	simm.s32 @!p0 $0x1BF5;
	p2 =	por !p2, p0  }
0x20: {  	[sflag:s8] =	ssyncset.s32 @!p0 $0xFFFFF086;
	s6 =	sadd.s32 @!p0 s3, s7;
	s7 =	simm.s32 @!p0 $0x108  }
0x21: {  	s3 =	sadd.s32 s3, s9;
	s6 =	sadd.s32 @!p0 $0x88, s6;
	s7 =	simm.s32 @p2 $0x1082  }
0x22: {  	[simem:s7], [sflag:s8] =	dma.local @!p0 [hbm:s6], $0xF7A  }
0x23: {  	s9 =	sor.u32 $0xD0000000, s2;
	s6 =	simm.s32 $0x108;
	_ =	swait.ge @!p0 [sflag:s8], $0x0  }
0x24: {  	s3 =	sadd.s32 $0x88, s3;
	s6 =	simm.s32 @!p1 $0x1082;
	[sflag:s4] =	ssyncset.s32 $0xFFFFF086  }
0x25: {  	[simem:s6], [sflag:s4] =	dma.local [hbm:s3], $0xF7A  }
0x26: {  	[smem:$0x3F9C] =	sst s1;
	(tag) =	ssettag s2;
	_ =	strace s9  }
0x27: {  	s1 =	sld [smem:$0x3FAC]  }
0x28: {  	s2 =	sld [smem:$0x3FAD]  }
0x29: {  	s4 =	sld [smem:$0x3FAF]  }
0x2a: {  	p0 =	seq.s32 s5, $0x0;
	s5 =	sld [smem:$0x3FB0]  }
0x2b: {  	s6 =	sld [smem:$0x3FB1]  }
0x2c: {  	s7 =	sld [smem:$0x3FB2]  }
0x2d: {  	s3 =	simm.s32 $0x108;
	s8 =	sld [smem:$0x3FB3]  }
0x2e: {  	s3 =	simm.s32 @!p0 $0x1082;
	s9 =	sld [smem:$0x3FB4]  }
0x2f: {  	lr =	sadd.s32 s0, s3;
	s0 =	sld [smem:$0x3FAB]  }
0x30: {  	s3 =	sld [smem:$0x3FAE]  }
0x31: {  	[smem:$0x3FB7] =	sst s10  }
0x32: {  	s10 =	sld [smem:$0x3FB5];
	_ =	sdelay $0x3  }
0x33: {  	p0 =	seq.s32 s10, $0x1;
	s10 =	sld [smem:$0x3FB7];
	_ =	sdelay $0x3  }
0x34: {  	[smem:$0x3FB7] =	sst s10  }
0x35: {  	s10 =	sld [smem:$0x3FB6];
	_ =	sdelay $0x3  }
0x36: {  	p1 =	seq.s32 s10, $0x1;
	s10 =	sld [smem:$0x3FB7];
	_ =	sdelay $0x3  }
0x37: {  	[smem:$0x3FB7] =	sst s10  }
0x38: {  	s10 =	sld [smem:$0x3FB8]  }
0x39: {  	_ = 	snop;
	(pc) =	sbr.ind lr, $3  }
0x3a: {  	_ = 	snop  }
0x3b: {  	_ = 	snop  }
0x3c: {  	p2 =	seq.s32 s10, $0x1;
	s10 =	sld [smem:$0x3FB7]  }
0x3d: {  	_ =	shalt  }
0x3e: {  	_ =	shalt  }
0x3f: {  	_ =	shalt  }
0x40: {  	_ =	shalt  }
0x41: {  	_ =	shalt  }
0x42: {  	_ =	shalt  }
0x43: {  	_ =	shalt  }
0x44: {  	_ =	shalt  }
0x45: {  	_ =	shalt  }
0x46: {  	_ =	shalt  }
0x47: {  	_ =	shalt  }
0x48: {  	_ =	shalt  }
0x49: {  	_ =	shalt  }
0x4a: {  	_ =	shalt  }
0x4b: {  	_ =	shalt  }
0x4c: {  	_ =	shalt  }
0x4d: {  	_ =	shalt  }
0x4e: {  	_ =	shalt  }
0x4f: {  	_ =	shalt  }
0x50: {  	_ =	shalt  }
0x51: {  	_ =	shalt  }
0x52: {  	_ =	shalt  }
0x53: {  	_ =	shalt  }
0x54: {  	_ =	shalt  }
0x55: {  	_ =	shalt  }
0x56: {  	_ =	shalt  }
0x57: {  	_ =	shalt  }
0x58: {  	_ =	shalt  }
0x59: {  	_ =	shalt  }
0x5a: {  	_ =	shalt  }
0x5b: {  	_ =	shalt  }
0x5c: {  	_ =	shalt  }
0x5d: {  	_ =	shalt  }
0x5e: {  	_ =	shalt  }
0x5f: {  	_ =	shalt  }
0x60: {  	_ =	shalt  }
0x61: {  	_ =	shalt  }
0x62: {  	_ =	shalt  }
0x63: {  	_ =	shalt  }
0x64: {  	_ =	shalt  }
0x65: {  	_ =	shalt  }
0x66: {  	_ =	shalt  }
0x67: {  	_ =	shalt  }
0x68: {  	_ =	shalt  }
0x69: {  	_ =	shalt  }
0x6a: {  	_ =	shalt  }
0x6b: {  	_ =	shalt  }
0x6c: {  	_ =	shalt  }
0x6d: {  	_ =	shalt  }
0x6e: {  	_ =	shalt  }
0x6f: {  	_ =	shalt  }
0x70: {  	_ =	shalt  }
0x71: {  	_ =	shalt  }
0x72: {  	_ =	shalt  }
0x73: {  	_ =	shalt  }
0x74: {  	_ =	shalt  }
0x75: {  	_ =	shalt  }
0x76: {  	_ =	shalt  }
0x77: {  	_ =	shalt  }
0x78: {  	_ =	shalt  }
0x79: {  	_ =	shalt  }
0x7a: {  	_ =	shalt  }
0x7b: {  	_ =	shalt  }
0x7c: {  	_ =	shalt  }
0x7d: {  	_ =	shalt  }
0x7e: {  	_ =	shalt  }
0x7f: {  	_ =	shalt  }
0x80: {  	_ =	shalt  }
0x81: {  	_ =	shalt  }
0x82: {  	_ =	shalt  }
0x83: {  	_ =	shalt  }
0x84: {  	_ =	shalt  }
0x85: {  	_ =	shalt  }
0x86: {  	_ =	shalt  }
0x87: {  	_ =	shalt  }
.Lfunc_end0:
.L_simem_size_0:
called_computation_lowered:
.L_overlay_start_0:
0x88: {  	s2 =	sld [smem:$0x3FD9]  }
0x89: {  	s3 =	sld [smem:$0x3FFE];
	_ =	sdelay $0x1  }
0x8a: {  	s1 =	srdreg.scid  }
0x8b: {  	s0 =	sand.u32 $0x1, s1  }
0x8c: {  	s17 =	sshll.u32 s0, $0xA;
	s2 =	sadd.s32 s3, s2  }
0x8d: {  	s2 =	sadd.s32 s2, s17  }
0x8e: {  	[smem:$0x3FC3] =	sst s2  }
0x8f: {  	_ = 	snop  }
0x90: {  	s2 =	sld [smem:$0x3FC9]  }
0x91: {  	s18 =	sld [smem:$0x3FD0];
	(tm) =	ssettm $0x1  }
0x92: {  	s4 =	sld [smem:$0x3FFB];
	_ =	sdelay $0x3  }
0x93: {  	_ =	strace s4  }
0x94: {  	s4 =	sld [smem:$0x3FFC];
	_ =	sdelay $0x3  }
0x95: {  	_ =	strace s4  }
0x96: {  	s4 =	sld [smem:$0x3FFD];
	_ =	sdelay $0x3  }
0x97: {  	_ =	strace s4  }
0x98: {  	_ =	strace $0x8FFFFFFF  }
0x99: {  	s19 =	sld [smem:$0x3FDB];
	_ =	sdelay $0x1  }
0x9a: {  	s5 =	simm.s32 $_scs_section_size  }
0x9b: {  	s6 =	simm.s32 $_size__tile_overlayer_lowered;
	s7 =	simm.s32 $_tile_overlayer_lowered  }
0x9c: {  	s22 =	simm.s32 $0x1BFF;
	s21 =	sshll.u32 s7, $0x1;
	s4 =	sadd.s32 s5, s19  }
0x9d: {  	s8 =	simm.s32 $0x0;
	s20 =	sshll.u32 s6, $0x1;
	s6 =	sadd.s32 s21, s4  }
0x9e: {  	[timem:s8], [sflag:s22] =	dma.local [hbm:s6], s20  }
0x9f: {  	_ =	swait.ge [sflag:s22], s20  }
0xa0: {  	s5 =	ssub.s32 $0x0, s20;
	[sflag:s22] =	ssyncset.done $0x0  }
0xa1: {  	[sflag:s22] =	ssyncadd.s32 s5;
	_ =	sdelay $0x1  }
0xa2: {  	s23 =	simm.s32 $0x1B8B  }
0xa3: {  	_ =	swait.ge [sflag:s23], $0x1  }
0xa4: {  	[sflag:s23] =	ssyncset.done $0x0  }
0xa5: {  	s25 =	simm.s32 $0x1B8E;
	s24 =	sld [smem:$0x3FFE];
	[sflag:s23] =	ssyncadd.s32 $0xFFFFFFFF  }
0xa6: {  	s26 =	simm.s32 $execute0_lowered;
	[smem:$0x3FD2] =	sst s25  }
0xa7: {  	s6 =	sshll.u32 s26, $0x1;
	_ =	strace $0x80000046;
	[dreg:$0x1] =	wrdreg $0xFFFFFFFF  }
0xa8: {  	s28 =	simm.s32 $_size_execute0_lowered;
	s4 =	sadd.s32 s4, s6;
	[dreg:$0x0] =	wrdreg $0x0  }
0xa9: {  	s6 =	sshll.u32 s28, $0x1;
	[dreg:$0x2] =	wrdreg s4  }
0xaa: {  	[dreg:$0x3] =	wrdreg s6  }
0xab: {  	[dreg:$0x4] =	wrdreg $0xC0  }
0xac: {  	_ =	task [dreg:s8], $0x5FFFF  }
0xad: {  	[dreg:$0x1] =	wrdreg $0xFFFFFFFF  }
0xae: {  	[dreg:$0x0] =	wrdreg $0x60  }
0xaf: {  	[dreg:$0x2] =	wrdreg s2  }
0xb0: {  	[dreg:$0x3] =	wrdreg s24  }
0xb1: {  	[dreg:$0x4] =	wrdreg s18  }
0xb2: {  	[dreg:$0x5] =	wrdreg $0x8A000  }
0xb3: {  	[dreg:$0x6] =	wrdreg $0x9  }
0xb4: {  	_ =	task.clear_ibuf [dreg:s8], $0x7FFFF;
	_ =	strace $0x90000046  }
0xb5: {  	s29 =	simm.s32 $0x9;
	_ =	strace $0x80000048  }
0xb6: {  	_ =	swait.ge [sflag:s29], $0x1  }
0xb7: {  	[sflag:s29] =	ssyncadd.s32 $0xFFFFFFFF  }
0xb8: {  	_ =	strace $0x90000048  }
0xb9: {  	_ =	sfence  }
0xba: {  	s30 =	sld [smem:$0x0];
	_ =	sdelay $0x2  }
0xbb: {  	s31 =	sshll.u32 s1, $0xD;
	s1 =	sshrl.u32 s1, $0x2  }
0xbc: {  	s3 =	sand.u32 $0x4000, s31;
	s1 =	sadd.s32 s1, s30  }
0xbd: {  	s0 =	sor.u32 s3, s0;
	s1 =	sshll.u32 s1, $0x11  }
0xbe: {  	s0 =	sor.u32 s1, s0  }
0xbf: {  	s0 =	sadd.s32 $0x8F2B, s0  }
0xc0: {  	[sflag:s0] =	ssyncadd.remote.s32 $0x1  }
0xc1: {  	_ =	sfence.sel $0xFFFF  }
0xc2: {  	[dreg:$0x0] =	wrdreg $0xFFFFFFFF;
	(pc) =	sbr.abs _section_cstart, $3  }
0xc3: {  	[dreg:$0x1] =	wrdreg $0xFFFFFFFF  }
0xc4: {  	_ =	task.clear_ibuf [dreg:s8], $0x2FFFF;
	_ =	strace $0x9FFFFFFF  }
0xc5: {  	(tm) =	ssettm $0x7FFFFFFF  }
tec
execute0_lowered:
.L_overlay_start_1:
0x0: {  	(tag) =	ssettag $0x1  }
0x1: {  	s4 =	rddreg [dreg:$0x0]  }
0x2: {  	s5 =	rddreg [dreg:$0x1];
	s1 =	srdreg.scid  }
0x3: {  	s10 =	rddreg [dreg:$0x2];
	s0 =	stileid.u32  }
0x4: {  	s2 =	rddreg [dreg:$0x3];
	s14 =	simm.s32 $0x8400;
	s15 =	simm.s32 $0x8600  }
0x5: {  	s17 =	simm.s32 $0x4000;
	s20 =	simm.s32 $0x2;
	s21 =	simm.s32 $0x0  }
0x6: {  	s6 =	sand.u32 $0x1, s1;
	s9 =	sshrl.u32 s0, $0x3;
	s1 =	rddreg [dreg:$0x4]  }
0x7: {  	s16 =	sand.u32 $0x7, s0;
	s18 =	sshll.u32 s0, $0x6;
	s3 =	sshll.u32 s6, $0x1  }
0x8: {  	s11 =	sshll.u32 s16, $0x6;
	s6 =	ssub.s32 $0x2, s6;
	s29 =	sshll.u32 s9, $0x7  }
0x9: {  	s30 =	sshll.u32 s16, $0x8;
	s31 =	sshll.u32 s16, $0xB;
	p0 =	sne.s32 s16, $0x0  }
0xa: {  	s16 =	simm.s32 $0x1;
	s18 =	sor.u32 $0x1C02, s18;
	s7 =	sor.u32 s9, s3  }
0xb: {  	s3 =	simm.s32 $0x0;
	s12 =	sshrl.u32 s6, $0x1;
	s9 =	sshll.u32 s9, $0xE  }
0xc: {  	s10 =	sadd.s32 s10, s30;
	s8 =	sshll.u32 s7, $0x9;
	[smem:$0x7FF] =	sst s3  }
0xd: {  	s13 =	sshll.u32 s7, $0xB;
	s12 =	ssub.s32 s6, s12;
	s9 =	sadd.s32 s9, s2  }
0xe: {  	s8 =	sor.u32 s11, s8;
	_ =	strace $0x80000047;
	s11 =	sadd.s32 s29, s5  }
0xf: {  	s4 =	sadd.s32 s4, s13;
	s10 =	sadd.s32 s13, s10;
	s19 =	sadd.s32 s31, s9  }
0x10: {  	s13 =	simm.s32 $0x8200;
	s8 =	sadd.s32 s8, s5;
	s19 =	sshrl.u32 s19, $0x3  }
0x11: {  	s5 =	sadd.s32 $0x1400, s8;
	s6 =	sadd.s32 $0x1C00, s8;
	s7 =	sadd.s32 $0x2400, s8  }
0x12: {  	v0 =	vimm.f32 $0.0e+00;
	s8 =	sadd.s32 $0x1200, s11;
	s11 =	smax.u32 s12, $0x1;
	s12 =	simm.s32 $0x8000  }
.LBB2_1:
0x13: {  	[tilespmem:s3], [sflag:$0x1] =	stream.linear.gather [hbm4b:s4+s3], $0x4000, $0x38;
	[tilespmem:$0x9200] =	vst v63  }
0x14: {  	_ = 	snop  }
0x15: {  	[tilespmem:s12], [sflag:$0x1] =	stream.linear.gather [hbm4b:s5+s3], $0x200, $0x38;
	[tilespmem:$0x9200] =	vst v63  }
0x16: {  	_ = 	snop  }
0x17: {  	[tilespmem:s13], [sflag:$0x1] =	stream.linear.gather [hbm4b:s6+s3], $0x200, $0x38;
	[tilespmem:$0x9200] =	vst v63  }
0x18: {  	_ = 	snop  }
0x19: {  	[tilespmem:s14], [sflag:$0x1] =	stream.linear.gather [hbm4b:s7+s3], $0x200, $0x38;
	[tilespmem:$0x9200] =	vst v63  }
0x1a: {  	s22 =	simm.s32 $0x0;
	s23 =	simm.s32 $0x200  }
0x1b: {  	[tilespmem:s15], [sflag:$0x1] =	stream.linear.gather [hbm4b:s8+s3], $0x400, $0x38;
	[tilespmem:$0x9200] =	vst v63  }
.LBB2_2:
0x1c: {  	p1 =	sne.s32 s23, $0xFE00;
	[tilespmem:s22+$0x4070] =	vst v0  }
0x1d: {  	[tilespmem:s22+$0x4000] =	vst v0  }
0x1e: {  	[tilespmem:s22+$0x4010] =	vst v0  }
.Ltmp0:
0x1f: {  	[tilespmem:s22+$0x4020] =	vst v0;
	(pc) =	sbr.rel @p1 .LBB2_2-.Ltmp0, $4  }
0x20: {  	[tilespmem:s22+$0x4030] =	vst v0  }
0x21: {  	[tilespmem:s22+$0x4040] =	vst v0  }
0x22: {  	[tilespmem:s22+$0x4050] =	vst v0  }
0x23: {  	[tilespmem:s22+$0x4060] =	vst v0;
	s22 =	sshra.s32 s23, $0x2;
	s23 =	sadd.s32 $0x200, s23  }
0x24: {  	[tilespmem:s22+$0x4070] =	vst v0  }
0x25: {  	[tilespmem:s22+$0x4000] =	vst v0  }
0x26: {  	[tilespmem:s22+$0x4010] =	vst v0  }
0x27: {  	[tilespmem:s22+$0x4020] =	vst v0  }
0x28: {  	[tilespmem:s22+$0x4030] =	vst v0  }
0x29: {  	[tilespmem:s22+$0x4040] =	vst v0  }
0x2a: {  	[tilespmem:s22+$0x4050] =	vst v0  }
0x2b: {  	[tilespmem:s22+$0x4060] =	vst v0  }
0x2c: {  	_ =	swait.ge [sflag:s16], $0x4000  }
0x2d: {  	[sflag:s16] =	ssyncset.done $0x0  }
0x2e: {  	[sflag:s16] =	ssyncadd.s32 $0xFFFFC000  }
0x2f: {  	_ =	swait.ge [sflag:s16], $0x200  }
0x30: {  	[sflag:s16] =	ssyncset.done $0x0  }
0x31: {  	[sflag:s16] =	ssyncadd.s32 $0xFFFFFE00  }
0x32: {  	_ =	swait.ge [sflag:s16], $0x200  }
0x33: {  	[sflag:s16] =	ssyncset.done $0x0  }
0x34: {  	[sflag:s16] =	ssyncadd.s32 $0xFFFFFE00  }
0x35: {  	_ =	swait.ge [sflag:s16], $0x200  }
0x36: {  	[sflag:s16] =	ssyncset.done $0x0  }
0x37: {  	[sflag:s16] =	ssyncadd.s32 $0xFFFFFE00  }
0x38: {  	_ =	swait.ge [sflag:s16], $0x400  }
0x39: {  	[sflag:s16] =	ssyncset.done $0x0  }
0x3a: {  	[sflag:s16] =	ssyncadd.s32 $0xFFFFFC00  }
0x3b: {  	v1 =	vld [tilespmem:$0x8400];
	_ =	sdelay $0x5  }
0x3c: {  	v2 =	vld [tilespmem:$0x8200]  }
0x3d: {  	v3 =	vld [tilespmem:$0x8000]  }
0x3e: {  	v1 =	vld.idx.msk [tilespmem:v1+s3+$0x0], $0xffff;
	_ =	sdelay $0x4  }
0x3f: {  	v1 =	vmul.f32 v3, v1;
	_ =	sdelay $0x1  }
0x40: {  	[tilespmem:v2+s17+$0x0] =	vst.idx.add.f32.msk $0xffff, v1  }
0x41: {  	v1 =	vld [tilespmem:$0x8410];
	_ =	sdelay $0x5  }
0x42: {  	v2 =	vld [tilespmem:$0x8210]  }
0x43: {  	v3 =	vld [tilespmem:$0x8010]  }
0x44: {  	v1 =	vld.idx.msk [tilespmem:v1+s3+$0x0], $0xffff;
	_ =	sdelay $0x4  }
0x45: {  	v1 =	vmul.f32 v3, v1;
	_ =	sdelay $0x1  }
0x46: {  	[tilespmem:v2+s17+$0x0] =	vst.idx.add.f32.msk $0xffff, v1  }
0x47: {  	v1 =	vld [tilespmem:$0x8420];
	_ =	sdelay $0x5  }
0x48: {  	v2 =	vld [tilespmem:$0x8220]  }
0x49: {  	v3 =	vld [tilespmem:$0x8020]  }
0x4a: {  	v1 =	vld.idx.msk [tilespmem:v1+s3+$0x0], $0xffff;
	_ =	sdelay $0x4  }
0x4b: {  	v1 =	vmul.f32 v3, v1;
	_ =	sdelay $0x1  }
0x4c: {  	[tilespmem:v2+s17+$0x0] =	vst.idx.add.f32.msk $0xffff, v1  }
0x4d: {  	v1 =	vld [tilespmem:$0x8430];
	_ =	sdelay $0x5  }
0x4e: {  	v2 =	vld [tilespmem:$0x8230]  }
0x4f: {  	v3 =	vld [tilespmem:$0x8030]  }
0x50: {  	v1 =	vld.idx.msk [tilespmem:v1+s3+$0x0], $0xffff;
	_ =	sdelay $0x4  }
0x51: {  	v1 =	vmul.f32 v3, v1;
	_ =	sdelay $0x1  }
0x52: {  	[tilespmem:v2+s17+$0x0] =	vst.idx.add.f32.msk $0xffff, v1  }
0x53: {  	v1 =	vld [tilespmem:$0x8440];
	_ =	sdelay $0x5  }
0x54: {  	v2 =	vld [tilespmem:$0x8240]  }
0x55: {  	v3 =	vld [tilespmem:$0x8040]  }
0x56: {  	v1 =	vld.idx.msk [tilespmem:v1+s3+$0x0], $0xffff;
	_ =	sdelay $0x4  }
0x57: {  	v1 =	vmul.f32 v3, v1;
	_ =	sdelay $0x1  }
0x58: {  	[tilespmem:v2+s17+$0x0] =	vst.idx.add.f32.msk $0xffff, v1  }
0x59: {  	v1 =	vld [tilespmem:$0x8450];
	_ =	sdelay $0x5  }
0x5a: {  	v2 =	vld [tilespmem:$0x8250]  }
0x5b: {  	v3 =	vld [tilespmem:$0x8050]  }
0x5c: {  	v1 =	vld.idx.msk [tilespmem:v1+s3+$0x0], $0xffff;
	_ =	sdelay $0x4  }
0x5d: {  	v1 =	vmul.f32 v3, v1;
	_ =	sdelay $0x1  }
0x5e: {  	[tilespmem:v2+s17+$0x0] =	vst.idx.add.f32.msk $0xffff, v1  }
0x5f: {  	v1 =	vld [tilespmem:$0x8460];
	_ =	sdelay $0x5  }
0x60: {  	v2 =	vld [tilespmem:$0x8260]  }
0x61: {  	v3 =	vld [tilespmem:$0x8060]  }
0x62: {  	v1 =	vld.idx.msk [tilespmem:v1+s3+$0x0], $0xffff;
	_ =	sdelay $0x4  }
0x63: {  	v1 =	vmul.f32 v3, v1;
	_ =	sdelay $0x1  }
0x64: {  	[tilespmem:v2+s17+$0x0] =	vst.idx.add.f32.msk $0xffff, v1  }
0x65: {  	v1 =	vld [tilespmem:$0x8470];
	_ =	sdelay $0x5  }
0x66: {  	v2 =	vld [tilespmem:$0x8270]  }
0x67: {  	v3 =	vld [tilespmem:$0x8070]  }
0x68: {  	v1 =	vld.idx.msk [tilespmem:v1+s3+$0x0], $0xffff;
	_ =	sdelay $0x4  }
0x69: {  	v1 =	vmul.f32 v3, v1;
	_ =	sdelay $0x1  }
0x6a: {  	[tilespmem:v2+s17+$0x0] =	vst.idx.add.f32.msk $0xffff, v1  }
0x6b: {  	v1 =	vld [tilespmem:$0x8480];
	_ =	sdelay $0x5  }
0x6c: {  	v2 =	vld [tilespmem:$0x8280]  }
0x6d: {  	v3 =	vld [tilespmem:$0x8080]  }
0x6e: {  	v1 =	vld.idx.msk [tilespmem:v1+s3+$0x0], $0xffff;
	_ =	sdelay $0x4  }
0x6f: {  	v1 =	vmul.f32 v3, v1;
	_ =	sdelay $0x1  }
0x70: {  	[tilespmem:v2+s17+$0x0] =	vst.idx.add.f32.msk $0xffff, v1  }
0x71: {  	v1 =	vld [tilespmem:$0x8490];
	_ =	sdelay $0x5  }
0x72: {  	v2 =	vld [tilespmem:$0x8290]  }
0x73: {  	v3 =	vld [tilespmem:$0x8090]  }
0x74: {  	v1 =	vld.idx.msk [tilespmem:v1+s3+$0x0], $0xffff;
	_ =	sdelay $0x4  }
0x75: {  	v1 =	vmul.f32 v3, v1;
	_ =	sdelay $0x1  }
0x76: {  	[tilespmem:v2+s17+$0x0] =	vst.idx.add.f32.msk $0xffff, v1  }
0x77: {  	v1 =	vld [tilespmem:$0x84A0];
	_ =	sdelay $0x5  }
0x78: {  	v2 =	vld [tilespmem:$0x82A0]  }
0x79: {  	v3 =	vld [tilespmem:$0x80A0]  }
0x7a: {  	v1 =	vld.idx.msk [tilespmem:v1+s3+$0x0], $0xffff;
	_ =	sdelay $0x4  }
0x7b: {  	v1 =	vmul.f32 v3, v1;
	_ =	sdelay $0x1  }
0x7c: {  	[tilespmem:v2+s17+$0x0] =	vst.idx.add.f32.msk $0xffff, v1  }
0x7d: {  	v1 =	vld [tilespmem:$0x84B0];
	_ =	sdelay $0x5  }
0x7e: {  	v2 =	vld [tilespmem:$0x82B0]  }
0x7f: {  	v3 =	vld [tilespmem:$0x80B0]  }
0x80: {  	v1 =	vld.idx.msk [tilespmem:v1+s3+$0x0], $0xffff;
	_ =	sdelay $0x4  }
0x81: {  	v1 =	vmul.f32 v3, v1;
	_ =	sdelay $0x1  }
0x82: {  	[tilespmem:v2+s17+$0x0] =	vst.idx.add.f32.msk $0xffff, v1  }
0x83: {  	v1 =	vld [tilespmem:$0x84C0];
	_ =	sdelay $0x5  }
0x84: {  	v2 =	vld [tilespmem:$0x82C0]  }
0x85: {  	v3 =	vld [tilespmem:$0x80C0]  }
0x86: {  	v1 =	vld.idx.msk [tilespmem:v1+s3+$0x0], $0xffff;
	_ =	sdelay $0x4  }
0x87: {  	v1 =	vmul.f32 v3, v1;
	_ =	sdelay $0x1  }
0x88: {  	[tilespmem:v2+s17+$0x0] =	vst.idx.add.f32.msk $0xffff, v1  }
0x89: {  	v1 =	vld [tilespmem:$0x84D0];
	_ =	sdelay $0x5  }
0x8a: {  	v2 =	vld [tilespmem:$0x82D0]  }
0x8b: {  	v3 =	vld [tilespmem:$0x80D0]  }
0x8c: {  	v1 =	vld.idx.msk [tilespmem:v1+s3+$0x0], $0xffff;
	_ =	sdelay $0x4  }
0x8d: {  	v1 =	vmul.f32 v3, v1;
	_ =	sdelay $0x1  }
0x8e: {  	[tilespmem:v2+s17+$0x0] =	vst.idx.add.f32.msk $0xffff, v1  }
0x8f: {  	v1 =	vld [tilespmem:$0x84E0];
	_ =	sdelay $0x5  }
0x90: {  	v2 =	vld [tilespmem:$0x82E0]  }
0x91: {  	v3 =	vld [tilespmem:$0x80E0]  }
0x92: {  	v1 =	vld.idx.msk [tilespmem:v1+s3+$0x0], $0xffff;
	_ =	sdelay $0x4  }
0x93: {  	v1 =	vmul.f32 v3, v1;
	_ =	sdelay $0x1  }
0x94: {  	[tilespmem:v2+s17+$0x0] =	vst.idx.add.f32.msk $0xffff, v1  }
0x95: {  	v1 =	vld [tilespmem:$0x84F0];
	_ =	sdelay $0x5  }
0x96: {  	v2 =	vld [tilespmem:$0x82F0]  }
0x97: {  	v3 =	vld [tilespmem:$0x80F0]  }
0x98: {  	v1 =	vld.idx.msk [tilespmem:v1+s3+$0x0], $0xffff;
	_ =	sdelay $0x4  }
0x99: {  	v1 =	vmul.f32 v3, v1;
	_ =	sdelay $0x1  }
0x9a: {  	[tilespmem:v2+s17+$0x0] =	vst.idx.add.f32.msk $0xffff, v1  }
0x9b: {  	v1 =	vld [tilespmem:$0x8500];
	_ =	sdelay $0x5  }
0x9c: {  	v2 =	vld [tilespmem:$0x8300]  }
0x9d: {  	v3 =	vld [tilespmem:$0x8100]  }
0x9e: {  	v1 =	vld.idx.msk [tilespmem:v1+s3+$0x0], $0xffff;
	_ =	sdelay $0x4  }
0x9f: {  	v1 =	vmul.f32 v3, v1;
	_ =	sdelay $0x1  }
0xa0: {  	[tilespmem:v2+s17+$0x0] =	vst.idx.add.f32.msk $0xffff, v1  }
0xa1: {  	v1 =	vld [tilespmem:$0x8510];
	_ =	sdelay $0x5  }
0xa2: {  	v2 =	vld [tilespmem:$0x8310]  }
0xa3: {  	v3 =	vld [tilespmem:$0x8110]  }
0xa4: {  	v1 =	vld.idx.msk [tilespmem:v1+s3+$0x0], $0xffff;
	_ =	sdelay $0x4  }
0xa5: {  	v1 =	vmul.f32 v3, v1;
	_ =	sdelay $0x1  }
0xa6: {  	[tilespmem:v2+s17+$0x0] =	vst.idx.add.f32.msk $0xffff, v1  }
0xa7: {  	v1 =	vld [tilespmem:$0x8520];
	_ =	sdelay $0x5  }
0xa8: {  	v2 =	vld [tilespmem:$0x8320]  }
0xa9: {  	v3 =	vld [tilespmem:$0x8120]  }
0xaa: {  	v1 =	vld.idx.msk [tilespmem:v1+s3+$0x0], $0xffff;
	_ =	sdelay $0x4  }
0xab: {  	v1 =	vmul.f32 v3, v1;
	_ =	sdelay $0x1  }
0xac: {  	[tilespmem:v2+s17+$0x0] =	vst.idx.add.f32.msk $0xffff, v1  }
0xad: {  	v1 =	vld [tilespmem:$0x8530];
	_ =	sdelay $0x5  }
0xae: {  	v2 =	vld [tilespmem:$0x8330]  }
0xaf: {  	v3 =	vld [tilespmem:$0x8130]  }
0xb0: {  	v1 =	vld.idx.msk [tilespmem:v1+s3+$0x0], $0xffff;
	_ =	sdelay $0x4  }
0xb1: {  	v1 =	vmul.f32 v3, v1;
	_ =	sdelay $0x1  }
0xb2: {  	[tilespmem:v2+s17+$0x0] =	vst.idx.add.f32.msk $0xffff, v1  }
0xb3: {  	v1 =	vld [tilespmem:$0x8540];
	_ =	sdelay $0x5  }
0xb4: {  	v2 =	vld [tilespmem:$0x8340]  }
0xb5: {  	v3 =	vld [tilespmem:$0x8140]  }
0xb6: {  	v1 =	vld.idx.msk [tilespmem:v1+s3+$0x0], $0xffff;
	_ =	sdelay $0x4  }
0xb7: {  	v1 =	vmul.f32 v3, v1;
	_ =	sdelay $0x1  }
0xb8: {  	[tilespmem:v2+s17+$0x0] =	vst.idx.add.f32.msk $0xffff, v1  }
0xb9: {  	v1 =	vld [tilespmem:$0x8550];
	_ =	sdelay $0x5  }
0xba: {  	v2 =	vld [tilespmem:$0x8350]  }
0xbb: {  	v3 =	vld [tilespmem:$0x8150]  }
0xbc: {  	v1 =	vld.idx.msk [tilespmem:v1+s3+$0x0], $0xffff;
	_ =	sdelay $0x4  }
0xbd: {  	v1 =	vmul.f32 v3, v1;
	_ =	sdelay $0x1  }
0xbe: {  	[tilespmem:v2+s17+$0x0] =	vst.idx.add.f32.msk $0xffff, v1  }
0xbf: {  	v1 =	vld [tilespmem:$0x8560];
	_ =	sdelay $0x5  }
0xc0: {  	v2 =	vld [tilespmem:$0x8360]  }
0xc1: {  	v3 =	vld [tilespmem:$0x8160]  }
0xc2: {  	v1 =	vld.idx.msk [tilespmem:v1+s3+$0x0], $0xffff;
	_ =	sdelay $0x4  }
0xc3: {  	v1 =	vmul.f32 v3, v1;
	_ =	sdelay $0x1  }
0xc4: {  	[tilespmem:v2+s17+$0x0] =	vst.idx.add.f32.msk $0xffff, v1  }
0xc5: {  	v1 =	vld [tilespmem:$0x8570];
	_ =	sdelay $0x5  }
0xc6: {  	v2 =	vld [tilespmem:$0x8370]  }
0xc7: {  	v3 =	vld [tilespmem:$0x8170]  }
0xc8: {  	v1 =	vld.idx.msk [tilespmem:v1+s3+$0x0], $0xffff;
	_ =	sdelay $0x4  }
0xc9: {  	v1 =	vmul.f32 v3, v1;
	_ =	sdelay $0x1  }
0xca: {  	[tilespmem:v2+s17+$0x0] =	vst.idx.add.f32.msk $0xffff, v1  }
0xcb: {  	v1 =	vld [tilespmem:$0x8580];
	_ =	sdelay $0x5  }
0xcc: {  	v2 =	vld [tilespmem:$0x8380]  }
0xcd: {  	v3 =	vld [tilespmem:$0x8180]  }
0xce: {  	v1 =	vld.idx.msk [tilespmem:v1+s3+$0x0], $0xffff;
	_ =	sdelay $0x4  }
0xcf: {  	v1 =	vmul.f32 v3, v1;
	_ =	sdelay $0x1  }
0xd0: {  	[tilespmem:v2+s17+$0x0] =	vst.idx.add.f32.msk $0xffff, v1  }
0xd1: {  	v1 =	vld [tilespmem:$0x8590];
	_ =	sdelay $0x5  }
0xd2: {  	v2 =	vld [tilespmem:$0x8390]  }
0xd3: {  	v3 =	vld [tilespmem:$0x8190]  }
0xd4: {  	v1 =	vld.idx.msk [tilespmem:v1+s3+$0x0], $0xffff;
	_ =	sdelay $0x4  }
0xd5: {  	v1 =	vmul.f32 v3, v1;
	_ =	sdelay $0x1  }
0xd6: {  	[tilespmem:v2+s17+$0x0] =	vst.idx.add.f32.msk $0xffff, v1  }
0xd7: {  	v1 =	vld [tilespmem:$0x85A0];
	_ =	sdelay $0x5  }
0xd8: {  	v2 =	vld [tilespmem:$0x83A0]  }
0xd9: {  	v3 =	vld [tilespmem:$0x81A0]  }
0xda: {  	v1 =	vld.idx.msk [tilespmem:v1+s3+$0x0], $0xffff;
	_ =	sdelay $0x4  }
0xdb: {  	v1 =	vmul.f32 v3, v1;
	_ =	sdelay $0x1  }
0xdc: {  	[tilespmem:v2+s17+$0x0] =	vst.idx.add.f32.msk $0xffff, v1  }
0xdd: {  	v1 =	vld [tilespmem:$0x85B0];
	_ =	sdelay $0x5  }
0xde: {  	v2 =	vld [tilespmem:$0x83B0]  }
0xdf: {  	v3 =	vld [tilespmem:$0x81B0]  }
0xe0: {  	v1 =	vld.idx.msk [tilespmem:v1+s3+$0x0], $0xffff;
	_ =	sdelay $0x4  }
0xe1: {  	v1 =	vmul.f32 v3, v1;
	_ =	sdelay $0x1  }
0xe2: {  	[tilespmem:v2+s17+$0x0] =	vst.idx.add.f32.msk $0xffff, v1  }
0xe3: {  	v1 =	vld [tilespmem:$0x85C0];
	_ =	sdelay $0x5  }
0xe4: {  	v2 =	vld [tilespmem:$0x83C0]  }
0xe5: {  	v3 =	vld [tilespmem:$0x81C0]  }
0xe6: {  	v1 =	vld.idx.msk [tilespmem:v1+s3+$0x0], $0xffff;
	_ =	sdelay $0x4  }
0xe7: {  	v1 =	vmul.f32 v3, v1;
	_ =	sdelay $0x1  }
0xe8: {  	[tilespmem:v2+s17+$0x0] =	vst.idx.add.f32.msk $0xffff, v1  }
0xe9: {  	v1 =	vld [tilespmem:$0x85D0];
	_ =	sdelay $0x5  }
0xea: {  	v2 =	vld [tilespmem:$0x83D0]  }
0xeb: {  	v3 =	vld [tilespmem:$0x81D0]  }
0xec: {  	v1 =	vld.idx.msk [tilespmem:v1+s3+$0x0], $0xffff;
	_ =	sdelay $0x4  }
0xed: {  	v1 =	vmul.f32 v3, v1;
	_ =	sdelay $0x1  }
0xee: {  	[tilespmem:v2+s17+$0x0] =	vst.idx.add.f32.msk $0xffff, v1  }
0xef: {  	v1 =	vld [tilespmem:$0x85E0];
	_ =	sdelay $0x5  }
0xf0: {  	v2 =	vld [tilespmem:$0x83E0]  }
0xf1: {  	v3 =	vld [tilespmem:$0x81E0]  }
0xf2: {  	v1 =	vld.idx.msk [tilespmem:v1+s3+$0x0], $0xffff;
	_ =	sdelay $0x4  }
0xf3: {  	v1 =	vmul.f32 v3, v1;
	_ =	sdelay $0x1  }
0xf4: {  	[tilespmem:v2+s17+$0x0] =	vst.idx.add.f32.msk $0xffff, v1  }
0xf5: {  	v1 =	vld [tilespmem:$0x85F0];
	_ =	sdelay $0x5  }
0xf6: {  	v2 =	vld [tilespmem:$0x83F0]  }
0xf7: {  	v3 =	vld [tilespmem:$0x81F0]  }
0xf8: {  	v1 =	vld.idx.msk [tilespmem:v1+s3+$0x0], $0xffff;
	_ =	sdelay $0x4  }
0xf9: {  	v1 =	vmul.f32 v3, v1;
	_ =	sdelay $0x1  }
0xfa: {  	s22 =	simm.s32 @p0 $0x80;
	[tilespmem:v2+s17+$0x0] =	vst.idx.add.f32.msk $0xffff, v1  }
0xfb: {  	s23 =	simm.s32 @p0 $0x8600;
	s24 =	simm.s32 @p0 $0x4000;
	[bflag:$0x0] =	sbarrier.arrive @p0 $0xFFFF  }
0xfc: {  	[spmem:s2] =	stream.indirect.scatter.add.f32 @p0 [tilespmem:s24], [sflag:$0x2], $0x10, s23, s22, $0xb8;
	[tilespmem:$0x9200] =	vst v63  }
0xfd: {  	s23 =	simm.s32 @p0 $0x2  }
0xfe: {  	_ =	swait.ge @p0 [sflag:s23], $0x800  }
0xff: {  	[sflag:s23] =	ssyncset.done @p0 $0x0  }
0x100: {  	s25 =	simm.s32 @p0 $0x4800;
	s24 =	simm.s32 @p0 $0x8680;
	[sflag:s23] =	ssyncadd.s32 @p0 $0xFFFFF800  }
0x101: {  	[spmem:s2] =	stream.indirect.scatter.add.f32 @p0 [tilespmem:s25], [sflag:$0x2], $0x10, s24, s22, $0xb8;
	[tilespmem:$0x9200] =	vst v63  }
0x102: {  	_ =	swait.ge @p0 [sflag:s23], $0x800  }
0x103: {  	[sflag:s23] =	ssyncset.done @p0 $0x0  }
0x104: {  	s24 =	simm.s32 @p0 $0x8700;
	s25 =	simm.s32 @p0 $0x5000;
	[sflag:s23] =	ssyncadd.s32 @p0 $0xFFFFF800  }
0x105: {  	[spmem:s2] =	stream.indirect.scatter.add.f32 @p0 [tilespmem:s25], [sflag:$0x2], $0x10, s24, s22, $0xb8;
	[tilespmem:$0x9200] =	vst v63  }
0x106: {  	_ =	swait.ge @p0 [sflag:s23], $0x800  }
0x107: {  	[sflag:s23] =	ssyncset.done @p0 $0x0  }
0x108: {  	s24 =	simm.s32 @p0 $0x8780;
	s25 =	simm.s32 @p0 $0x5800;
	[sflag:s23] =	ssyncadd.s32 @p0 $0xFFFFF800  }
0x109: {  	[spmem:s2] =	stream.indirect.scatter.add.f32 @p0 [tilespmem:s25], [sflag:$0x2], $0x10, s24, s22, $0xb8;
	[tilespmem:$0x9200] =	vst v63  }
0x10a: {  	_ =	swait.ge @p0 [sflag:s23], $0x800  }
0x10b: {  	[sflag:s23] =	ssyncset.done @p0 $0x0  }
0x10c: {  	s24 =	simm.s32 @p0 $0x8800;
	s25 =	simm.s32 @p0 $0x6000;
	[sflag:s23] =	ssyncadd.s32 @p0 $0xFFFFF800  }
0x10d: {  	[spmem:s2] =	stream.indirect.scatter.add.f32 @p0 [tilespmem:s25], [sflag:$0x2], $0x10, s24, s22, $0xb8;
	[tilespmem:$0x9200] =	vst v63  }
0x10e: {  	_ =	swait.ge @p0 [sflag:s23], $0x800  }
0x10f: {  	[sflag:s23] =	ssyncset.done @p0 $0x0  }
0x110: {  	s24 =	simm.s32 @p0 $0x8880;
	s25 =	simm.s32 @p0 $0x6800;
	[sflag:s23] =	ssyncadd.s32 @p0 $0xFFFFF800  }
0x111: {  	[spmem:s2] =	stream.indirect.scatter.add.f32 @p0 [tilespmem:s25], [sflag:$0x2], $0x10, s24, s22, $0xb8;
	[tilespmem:$0x9200] =	vst v63  }
0x112: {  	_ =	swait.ge @p0 [sflag:s23], $0x800  }
0x113: {  	[sflag:s23] =	ssyncset.done @p0 $0x0  }
0x114: {  	s24 =	simm.s32 @p0 $0x8900;
	s25 =	simm.s32 @p0 $0x7000;
	[sflag:s23] =	ssyncadd.s32 @p0 $0xFFFFF800  }
0x115: {  	[spmem:s2] =	stream.indirect.scatter.add.f32 @p0 [tilespmem:s25], [sflag:$0x2], $0x10, s24, s22, $0xb8;
	[tilespmem:$0x9200] =	vst v63  }
0x116: {  	_ =	swait.ge @p0 [sflag:s23], $0x800  }
0x117: {  	[sflag:s23] =	ssyncset.done @p0 $0x0  }
0x118: {  	s24 =	simm.s32 @p0 $0x8980;
	s25 =	simm.s32 @p0 $0x7800;
	[sflag:s23] =	ssyncadd.s32 @p0 $0xFFFFF800  }
0x119: {  	[spmem:s2] =	stream.indirect.scatter.add.f32 @p0 [tilespmem:s25], [sflag:$0x2], $0x10, s24, s22, $0xb8;
	[tilespmem:$0x9200] =	vst v63  }
0x11a: {  	_ =	swait.ge @p0 [sflag:s23], $0x800  }
0x11b: {  	[sflag:s23] =	ssyncset.done @p0 $0x0  }
0x11c: {  	s22 =	simm.s32 @!p0 $0x4000;
	[sflag:s23] =	ssyncadd.s32 @p0 $0xFFFFF800  }
0x11d: {  	[spmem:s9] =	stream.linear.scatter @!p0 [tilespmem:s22], [sflag:$0x2], $0x4000, $0x38;
	[tilespmem:$0x9200] =	vst v63  }
0x11e: {  	s22 =	simm.s32 @!p0 $0x2  }
0x11f: {  	_ =	swait.ge @!p0 [sflag:s22], $0x4000  }
0x120: {  	[sflag:s22] =	ssyncset.done @!p0 $0x0  }
0x121: {  	s21 =	sadd.s32 $0x1, s21;
	[sflag:s22] =	ssyncadd.s32 @!p0 $0xFFFFC000  }
0x122: {  	p1 =	sne.s32 s21, s11;
	[bflag:$0x0] =	sbarrier.arrive @!p0 $0xFFFF  }
.Ltmp1:
0x123: {  	[bflag:$0x0] =	sbarrier.arrive $0xFFFF;
	(pc) =	sbr.rel @p1 .LBB2_1-.Ltmp1, $4  }
0x124: {  	[hbm:s10], [sflag:s18] =	dma.local [spmem:s19], $0x100  }
0x125: {  	_ =	swait.ge [sflag:s20], $0x100  }
0x126: {  	[sflag:s20] =	ssyncset.done $0x0  }
0x127: {  	[sflag:s20] =	ssyncadd.s32 $0xFFFFFF00  }
0x128: {  	_ =	sfence.sel $0x180000  }
0x129: {  	[bflag:$0x0] =	sbarrier.arrive $0xFFFF  }
0x12a: {  	p0 =	sne.s32 s0, $0x0;
	_ =	strace $0x90000047  }
0x12b: {  	s0 =	sadd.s32 @!p0 $0x100000, s1;
	[bflag:$0x2] =	sbarrier.arrive $0xFFFF  }
0x12c: {  	[sflag:s0] =	ssyncadd.tile.s32 @!p0 $0x1;
	_ =	shalt  }
.Lfunc_end2:
_tile_overlayer_lowered:
.L_overlay_start_2:
0x12d: {  	(tag) =	ssettag $0x2  }
0x12e: {  	s0 =	rddreg [dreg:$0x0];
	s2 =	stileid.u32  }
0x12f: {  	s1 =	rddreg [dreg:$0x1];
	p0 =	sne.s32 s2, $0x0  }
0x130: {  	s3 =	rddreg [dreg:$0x2];
	[bflag:$0x3] =	sbarrier.arrive $0xFFFF;
	s2 =	simm.s32 @!p0 $0x1C02  }
0x131: {  	[timem:s3], [sflag:s2] =	dma.local @!p0 [hbm:s0], s1  }
0x132: {  	s0 =	simm.s32 @!p0 $0x2  }
0x133: {  	_ =	swait.ge @!p0 [sflag:s0], s1  }
0x134: {  	s1 =	ssub.s32 @!p0 $0x0, s1;
	[sflag:s0] =	ssyncset.done @!p0 $0x0  }
0x135: {  	[sflag:s0] =	ssyncadd.s32 @!p0 s1  }
0x136: {  	[bflag:$0x3] =	sbarrier.arrive $0xFFFF  }
0x137: {  	_ =	shalt  }

</sc_bundles>
